<compile_context>
chip_gen: v7x
topology: tpu7x:2x2x1
jax: 0.10.2.dev20260603
libtpu: 0.0.44.dev20260713+nightly
codegen_flags: <defaults>
</compile_context>

<pallas_src>
import functools

import jax
import jax.numpy as jnp
from jax import lax
from jax.experimental import pallas as pl
from jax.experimental.pallas import tpu as pltpu
from jax.experimental.pallas import tpu_sc as plsc

B, T, NV, NF, H, W = 4, 8, 6890, 13776, 224, 224
BT = B * T
NVP = 6912
NPIX = BT * H * W
NFACE = BT * NF
VV = BT * NVP
L = 16

PIX_PER_CORE = NPIX // 2
PIX_PER_TILE = PIX_PER_CORE // 16
PIX_CHUNK = 12544
N_PIX_CHUNK = PIX_PER_TILE // PIX_CHUNK
FACE_PER_TILE = NFACE // 16
FACE_CHUNK = 9184
N_FACE_CHUNK = FACE_PER_TILE // FACE_CHUNK
VV_PER_TILE = VV // 16

VC = 3456
FRAME_FLOW = H * W * 2

_MESH = plsc.VectorSubcoreMesh(core_axis_name="c", subcore_axis_name="s")
_PARAMS = pltpu.CompilerParams(needs_layout_passes=False)


def _fill(ref, n, val, dtype):
    def body(i, _):
        ref[pl.ds(i * L, L)] = jnp.full((L,), val, dtype)
        return 0
    lax.fori_loop(0, n // L, body, 0)


_VIS_SCRATCH = [
    pltpu.VMEM((PIX_CHUNK,), jnp.int32),
    pltpu.VMEM((PIX_CHUNK,), jnp.float32),
    pltpu.VMEM((NF,), jnp.int32),
    pltpu.VMEM((NF,), jnp.float32),
    pltpu.VMEM((VV_PER_TILE,), jnp.float32),
    pltpu.VMEM_SHARED((NFACE,), jnp.float32),
    pltpu.VMEM_SHARED((VV,), jnp.float32),
]


def _vis_body(p2f, faces, vv_out,
                idx_buf, ones_buf, faces_buf, cnt_buf, zero_buf,
                face_sp, vv_sp):
    c = lax.axis_index("c")
    s = lax.axis_index("s")

    _fill(zero_buf, VV_PER_TILE, 0.0, jnp.float32)
    _fill(ones_buf, PIX_CHUNK, 1.0, jnp.float32)

    fbase = s * FACE_PER_TILE
    pltpu.sync_copy(zero_buf, face_sp.at[pl.ds(fbase, VV_PER_TILE)])
    pltpu.sync_copy(zero_buf.at[pl.ds(0, FACE_PER_TILE - VV_PER_TILE)],
                    face_sp.at[pl.ds(fbase + VV_PER_TILE,
                                     FACE_PER_TILE - VV_PER_TILE)])
    pltpu.sync_copy(zero_buf, vv_sp.at[pl.ds(s * VV_PER_TILE, VV_PER_TILE)])
    plsc.subcore_barrier()

    pbase = c * PIX_PER_CORE + s * PIX_PER_TILE
    def stage_a(k, _):
        pltpu.sync_copy(p2f.at[pl.ds(pbase + k * PIX_CHUNK, PIX_CHUNK)],
                        idx_buf)
        pltpu.sync_copy(ones_buf, face_sp.at[idx_buf])
        return 0
    lax.fori_loop(0, N_PIX_CHUNK, stage_a, 0)
    plsc.subcore_barrier()

    def stage_b(fi, _):
        nf = s * 2 + fi
        fb = lax.div(nf, T)
        ft = lax.rem(nf, T)
        voff = nf * NVP
        pltpu.sync_copy(face_sp.at[pl.ds(nf * NF, NF)], cnt_buf)
        for r in range(3):
            pltpu.sync_copy(
                faces.at[pl.ds(((fb * 3 + r) * T + ft) * NF, NF)], faces_buf)
            pltpu.sync_copy(cnt_buf,
                            vv_sp.at[pl.ds(voff, NVP)].at[faces_buf],
                            add=True)
        return 0
    lax.fori_loop(0, 2, stage_b, 0)
    plsc.subcore_barrier()

    pltpu.sync_copy(vv_sp.at[pl.ds(s * VV_PER_TILE, VV_PER_TILE)],
                    vv_out.at[c, pl.ds(s * VV_PER_TILE, VV_PER_TILE)])


_vis_kernel = pl.kernel(
    _vis_body,
    mesh=_MESH,
    compiler_params=_PARAMS,
    out_type=jax.ShapeDtypeStruct((2, VV), jnp.float32),
    scratch_types=_VIS_SCRATCH,
)


def _round_half_even(x):
    t = x.astype(jnp.int32)
    fl = t - jnp.where(x < t.astype(jnp.float32), 1, 0)
    r = x - fl.astype(jnp.float32)
    odd = jnp.bitwise_and(fl, 1)
    up = (r > 0.5) | ((r == 0.5) & (odd == 1))
    return fl + jnp.where(up, 1, 0)


_LOSS_SCRATCH = [
    pltpu.VMEM((FRAME_FLOW,), jnp.float32),
    pltpu.VMEM((VC,), jnp.float32),
    pltpu.VMEM((VC,), jnp.float32),
    pltpu.VMEM((VC,), jnp.float32),
    pltpu.VMEM((VC,), jnp.float32),
    pltpu.VMEM((VC,), jnp.float32),
    pltpu.VMEM((VC,), jnp.float32),
    pltpu.VMEM((3 * L,), jnp.float32),
    pltpu.VMEM((3 * L,), jnp.float32),
    pltpu.VMEM((L,), jnp.float32),
]


def _loss_body(mesh_xy, cams, flows, vv, out,
                 flow_buf, mx_buf, my_buf, px_buf, py_buf, vv0_buf, vv1_buf,
                 camc_buf, camp_buf, o_buf):
    c = lax.axis_index("c")
    s = lax.axis_index("s")
    n = s * 2 + c
    tau = lax.rem(n, T)
    pn = lax.max(n - 1, 0)
    nb = lax.div(n, T)
    nt = lax.rem(n, T)
    pb = lax.div(pn, T)
    pt = lax.rem(pn, T)
    iota = lax.iota(jnp.int32, L)

    pltpu.sync_copy(flows.at[pl.ds(n * FRAME_FLOW, FRAME_FLOW)], flow_buf)
    pltpu.sync_copy(cams.at[pl.ds(n * 3 * L, 3 * L)], camc_buf)
    pltpu.sync_copy(cams.at[pl.ds(pn * 3 * L, 3 * L)], camp_buf)
    s_c = camc_buf[pl.ds(0, L)]
    txc = camc_buf[pl.ds(L, L)]
    tyc = camc_buf[pl.ds(2 * L, L)]
    s_p = camp_buf[pl.ds(0, L)]
    txp = camp_buf[pl.ds(L, L)]
    typ = camp_buf[pl.ds(2 * L, L)]
    tauf = jnp.where(tau != 0, 1.0, 0.0).astype(jnp.float32)

    def chunk(ci, carry):
        acc_a, acc_c = carry
        vb = ci * VC
        pltpu.sync_copy(
            mesh_xy.at[pl.ds(((nb * 3 + 0) * T + nt) * NVP + vb, VC)], mx_buf)
        pltpu.sync_copy(
            mesh_xy.at[pl.ds(((nb * 3 + 1) * T + nt) * NVP + vb, VC)], my_buf)
        pltpu.sync_copy(
            mesh_xy.at[pl.ds(((pb * 3 + 0) * T + pt) * NVP + vb, VC)], px_buf)
        pltpu.sync_copy(
            mesh_xy.at[pl.ds(((pb * 3 + 1) * T + pt) * NVP + vb, VC)], py_buf)
        pltpu.sync_copy(vv.at[0, pl.ds(n * NVP + vb, VC)], vv0_buf)
        pltpu.sync_copy(vv.at[1, pl.ds(n * NVP + vb, VC)], vv1_buf)

        def inner(j, icarry):
            ia, ic = icarry
            p = j * L + iota
            vl = vb + p
            sl = pl.ds(j * L, L)
            xc = mx_buf[sl]
            yc = my_buf[sl]
            xp = px_buf[sl]
            yp = py_buf[sl]
            ppx = s_c * xc + txc
            ppy = s_c * yc + tyc
            qx = s_p * xp + txp
            qy = s_p * yp + typ
            ix = ((ppx + 1.0) * W - 1.0) * 0.5
            iy = ((ppy + 1.0) * H - 1.0) * 0.5
            ixn = _round_half_even(ix)
            iyn = _round_half_even(iy)
            valid = (ixn >= 0) & (ixn < W) & (iyn >= 0) & (iyn < H)
            ixc = jnp.clip(ixn, 0, W - 1)
            iyc = jnp.clip(iyn, 0, H - 1)
            lin = iyc * (2 * W) + ixc
            fx = plsc.load_gather(flow_buf, [lin])
            fy = plsc.load_gather(flow_buf, [lin + W])
            vf = jnp.where(valid, 1.0, 0.0)
            sx = fx * vf
            sy = fy * vf
            vvv = vv0_buf[sl] + vv1_buf[sl]
            visb = ((jnp.abs(sx) + jnp.abs(sy)) != 0.0) & (vvv > 0.0) & (vl < NV)
            vis = jnp.where(visb, 1.0, 0.0) * tauf
            px_ = (ppx + 1.0) * (W * 0.5)
            py_ = (ppy + 1.0) * (W * 0.5)
            qx_ = (qx + 1.0) * (W * 0.5)
            qy_ = (qy + 1.0) * (W * 0.5)
            opx = qx_ - px_
            opy = qy_ - py_
            ia = ia + jnp.abs(vis * sx - vis * opx) + jnp.abs(vis * sy - vis * opy)
            ic = ic + vis
            return (ia, ic)

        return lax.fori_loop(0, VC // L, inner, (acc_a, acc_c))

    zero = jnp.zeros((L,), jnp.float32)
    acc_a, acc_c = lax.fori_loop(0, NVP // VC, chunk, (zero, zero))
    a = jnp.sum(acc_a)
    cs = jnp.sum(acc_c)
    av = jnp.full((L,), a, jnp.float32)
    cv = jnp.full((L,), cs, jnp.float32)
    o_buf[...] = av / 224.0 / (cv + 1.0)
    pltpu.sync_copy(o_buf, out.at[n])


_loss_kernel = pl.kernel(
    _loss_body,
    mesh=_MESH,
    compiler_params=_PARAMS,
    out_type=jax.ShapeDtypeStruct((BT, L), jnp.float32),
    scratch_types=_LOSS_SCRATCH,
)


@jax.jit
def _impl(meshes, faces, cams, flows, pix_to_face):
    p2f = pix_to_face.reshape(-1).astype(jnp.int32)
    faces_f = faces.transpose(0, 3, 1, 2).reshape(-1).astype(jnp.int32)
    vvcnt = _vis_kernel(p2f, faces_f)

    mesh_t = jnp.pad(meshes.transpose(0, 3, 1, 2),
                     ((0, 0), (0, 0), (0, 0), (0, NVP - NV)))
    cams_rep = jnp.broadcast_to(
        cams.reshape(BT, 3)[:, :, None], (BT, 3, L)).reshape(-1)
    flows_f = flows.transpose(0, 1, 2, 4, 3).reshape(-1)
    out = _loss_kernel(mesh_t.reshape(-1), cams_rep, flows_f, vvcnt)
    return out[:, 0].sum()


def kernel(meshes, faces, cams, flows, pix_to_face):
    return _impl(meshes, faces, cams, flows, pix_to_face)

# --- scband reference (transcript-rebuilt; emitter-appended) ---
"""Pipeline reference for scband-optical-flow-loss-73074573574232 (READ-ONLY COPY).

The authoritative reference and input builder live on the scoring server;
editing this copy changes nothing except your own understanding.
"""

import jax, jax.numpy as jnp
import numpy as np


def proj_fn(points, cams):
    # weak-perspective projection: cams = [s, tx, ty] per frame
    s = cams[:, None, 0:1]
    t = cams[:, None, 1:3]
    xy = s * points[..., :2] + t
    return jnp.concatenate([xy, points[..., 2:]], axis=-1)


def grid_sample_nearest_zeros(img, grid):
    # img: [N, C, H, W], grid: [N, Ho, Wo, 2] in [-1,1], align_corners=False, padding zeros
    N, C, H, W = img.shape
    Ho, Wo = grid.shape[1], grid.shape[2]
    x = grid[..., 0]
    y = grid[..., 1]
    ix = ((x + 1.0) * W - 1.0) / 2.0
    iy = ((y + 1.0) * H - 1.0) / 2.0
    ixn = jnp.round(ix).astype(jnp.int32)
    iyn = jnp.round(iy).astype(jnp.int32)
    valid = (ixn >= 0) & (ixn < W) & (iyn >= 0) & (iyn < H)
    ixc = jnp.clip(ixn, 0, W - 1)
    iyc = jnp.clip(iyn, 0, H - 1)
    flat = img.transpose(0, 2, 3, 1).reshape(N, H * W, C)
    lin = (iyc * W + ixc).reshape(N, -1)
    out = jnp.take_along_axis(flat, lin[..., None], axis=1)
    out = out * valid.reshape(N, -1)[..., None].astype(img.dtype)
    return out.reshape(N, Ho, Wo, C).transpose(0, 3, 1, 2)


def visible_vertices_from_ints(faces, pix_to_face, b, t, nv):
    bt = b * t
    fi = pix_to_face[..., :1].reshape(bt, -1)
    F_ = faces.shape[2]
    faces_r = faces.reshape(bt, F_, 3)
    faces_off = faces_r + (jnp.arange(bt)[:, None, None] * nv)
    faces_flat = faces_off.reshape(-1, 3)
    valid = (fi >= 0).reshape(-1)
    safe = jnp.where(valid, fi.reshape(-1), 0)
    sel = faces_flat[safe]
    vals = jnp.repeat(valid.astype(jnp.float32)[:, None], 3, axis=1).reshape(-1)
    vv = jnp.zeros((bt * nv,), jnp.float32).at[sel.reshape(-1)].max(vals)
    return vv.reshape(b, t, nv)


def setup_inputs(seed: int = 0):
    key = jax.random.key(seed)
    k1, k2, k3, k4, k5 = jax.random.split(key, 5)
    b, t, nv, F_, H, W = 4, 8, 6890, 13776, 224, 224
    meshes = jax.random.normal(k1, (b, t, nv, 3), jnp.float32)
    faces = jax.random.randint(k2, (b, t, F_, 3), 0, nv)
    cams = jax.random.uniform(k3, (b, t, 3), jnp.float32)
    flows = jax.random.normal(k4, (b, t, H, W, 2), jnp.float32)
    pix_to_face = jax.random.randint(k5, (b * t, H, W, 1), 0, b * t * F_)
    return {"meshes": meshes, "faces": faces, "cams": cams, "flows": flows, "pix_to_face": pix_to_face}


def reference(meshes, faces, cams, flows, pix_to_face):
    b, t, nv, _ = meshes.shape
    bt = b * t
    H, W = flows.shape[2], flows.shape[3]
    predicted_points = proj_fn(meshes.reshape(bt, nv, 3), cams.reshape(bt, -1))
    visible_vertices = visible_vertices_from_ints(faces, pix_to_face, b, t, nv)
    pp2 = predicted_points[..., :2]
    grid = pp2[:, :, None, :]
    flows_p = flows.reshape(bt, H, W, 2).transpose(0, 3, 1, 2)
    samples = grid_sample_nearest_zeros(flows_p, grid)
    samples = samples[..., 0].transpose(0, 2, 1).reshape(b, t, nv, 2)
    pp = pp2.reshape(b, t, nv, 2)
    pp_ = W * (pp + 1.0) / 2.0
    of_pred = pp_[:, :-1] - pp_[:, 1:]
    vis = ((jnp.abs(samples).sum(-1) != 0) & (visible_vertices > 0)).astype(jnp.float32)
    vis = jax.lax.stop_gradient(vis[:, 1:])
    sgt = vis[..., None] * samples[:, 1:]
    opd = vis[..., None] * of_pred
    loss = jnp.abs(sgt[..., 0] - opd[..., 0]).sum(-1) + jnp.abs(sgt[..., 1] - opd[..., 1]).sum(-1)
    loss = loss / H / (vis.sum(-1) + 1.0)
    return loss.sum()

if __name__ == "__main__":
    import jax
    _d = setup_inputs()
    print(jax.jit(kernel)(*tuple(_d.values())))

</pallas_src>

<mosaic_0001>
#map = affine_map<(d0, d1) -> (0)>
#map1 = affine_map<(d0, d1) -> (0, 0)>
module attributes {stable_mosaic.version = 14 : i64} {
  func.func @_vis_body(%arg0: i32, %arg1: i32, %arg2: memref<1605632xi32, #tpu.memory_space<hbm>>, %arg3: memref<1322496xi32, #tpu.memory_space<hbm>>, %arg4: memref<2x221184xf32, #tpu.memory_space<hbm>>, %arg5: memref<12544xi32, #tpu.memory_space<vmem>>, %arg6: memref<12544xf32, #tpu.memory_space<vmem>>, %arg7: memref<13776xi32, #tpu.memory_space<vmem>>, %arg8: memref<13776xf32, #tpu.memory_space<vmem>>, %arg9: memref<13824xf32, #tpu.memory_space<vmem>>, %arg10: memref<440832xf32, #tpu.memory_space<vmem_shared>>, %arg11: memref<221184xf32, #tpu.memory_space<vmem_shared>>) attributes {dimension_semantics = [#tpu.dimension_semantics<core_parallel>, #tpu.dimension_semantics<subcore_parallel>], iteration_bounds = array<i64: 2, 16>, scalar_prefetch = 0 : i64, scratch_operands = 7 : i64, tpu.core_type = #tpu.core_type<sc_vector_subcore>, window_params = [{transform_indices = #map}, {transform_indices = #map}, {transform_indices = #map1}]} {
    %scan3A = arith.constant 0 : i32
    %scan3A_0 = arith.constant 0 : i32
    %scan3A_1 = arith.constant 864 : i32
    %scan3A_2 = arith.addi %scan3A_0, %scan3A_1 : i32
    %scan3A_3 = arith.constant 1 : i32
    %scan3A_4 = scf.for %scan3A_42 = %scan3A_0 to %scan3A_2 step %scan3A_3 iter_args(%scan3A_43 = %scan3A) -> (i32)  : i32 {
      %broadcast_in_dim3A = arith.constant 0.000000e+00 : f32
      %broadcast_in_dim3A_44 = vector.broadcast %broadcast_in_dim3A : f32 to vector<16xf32>
      %mul3A_45 = arith.constant 16 : i32
      %mul3A_46 = arith.muli %scan3A_42, %mul3A_45 : i32
      %swap3A = arith.index_cast %mul3A_46 : i32 to index
      %swap3A_47 = tpu.vector_load %arg9[%swap3A] {strides = array<i32>} : memref<13824xf32, #tpu.memory_space<vmem>>, vector<16xf32>,
      tpu.vector_store %arg9[%swap3A], %broadcast_in_dim3A_44 {strides = array<i32>} : memref<13824xf32, #tpu.memory_space<vmem>>, vector<16xf32>,
      %scan3A_48 = arith.constant 0 : i32
      scf.yield %scan3A_48 : i32
    }
    %scan3A_5 = arith.constant 864 : i32
    %scan3A_6 = arith.constant 0 : i32
    %scan3A_7 = arith.constant 0 : i32
    %scan3A_8 = arith.constant 784 : i32
    %scan3A_9 = arith.addi %scan3A_7, %scan3A_8 : i32
    %scan3A_10 = arith.constant 1 : i32
    %scan3A_11 = scf.for %scan3A_42 = %scan3A_7 to %scan3A_9 step %scan3A_10 iter_args(%scan3A_43 = %scan3A_6) -> (i32)  : i32 {
      %broadcast_in_dim3A = arith.constant 1.000000e+00 : f32
      %broadcast_in_dim3A_44 = vector.broadcast %broadcast_in_dim3A : f32 to vector<16xf32>
      %mul3A_45 = arith.constant 16 : i32
      %mul3A_46 = arith.muli %scan3A_42, %mul3A_45 : i32
      %swap3A = arith.index_cast %mul3A_46 : i32 to index
      %swap3A_47 = tpu.vector_load %arg6[%swap3A] {strides = array<i32>} : memref<12544xf32, #tpu.memory_space<vmem>>, vector<16xf32>,
      tpu.vector_store %arg6[%swap3A], %broadcast_in_dim3A_44 {strides = array<i32>} : memref<12544xf32, #tpu.memory_space<vmem>>, vector<16xf32>,
      %scan3A_48 = arith.constant 0 : i32
      scf.yield %scan3A_48 : i32
    }
    %scan3A_12 = arith.constant 784 : i32
    %mul3A = arith.constant 27552 : i32
    %mul3A_13 = arith.muli %arg1, %mul3A : i32
    "tpu.region"() ({
      %run_scoped3A = tpu.sem_alloc : memref<!tpu.dma_semaphore, #tpu.memory_space<semaphore_mem>>
      %dma_start3A = tpu.memref_slice %arg10[%mul3A_13] : memref<440832xf32, #tpu.memory_space<vmem_shared>> -> memref<13824xf32, #tpu.memory_space<vmem_shared>>
      %dma_start3A_42 = tpu.memref_slice %arg10[%mul3A_13] : memref<440832xf32, #tpu.memory_space<vmem_shared>> -> memref<13824xf32, #tpu.memory_space<vmem_shared>>
      tpu.enqueue_dma source(%arg9 : memref<13824xf32, #tpu.memory_space<vmem>>) target(%dma_start3A_42 : memref<13824xf32, #tpu.memory_space<vmem_shared>>) target_semaphore(%run_scoped3A : memref<!tpu.dma_semaphore, #tpu.memory_space<semaphore_mem>>)
      %dma_wait3A = tpu.memref_slice %arg10[%mul3A_13] : memref<440832xf32, #tpu.memory_space<vmem_shared>> -> memref<13824xf32, #tpu.memory_space<vmem_shared>>
      %dma_wait3A_43 = tpu.memref_slice %arg10[%mul3A_13] : memref<440832xf32, #tpu.memory_space<vmem_shared>> -> memref<13824xf32, #tpu.memory_space<vmem_shared>>
      tpu.wait_dma2 semaphore(%run_scoped3A : memref<!tpu.dma_semaphore, #tpu.memory_space<semaphore_mem>>) src(%arg9 : memref<13824xf32, #tpu.memory_space<vmem>>) dst(%dma_wait3A_43 : memref<13824xf32, #tpu.memory_space<vmem_shared>>)
      tpu.yield
    }) : () -> ()
    %add3A = arith.constant 13824 : i32
    %add3A_14 = arith.addi %mul3A_13, %add3A : i32
    "tpu.region"() ({
      %run_scoped3A = tpu.sem_alloc : memref<!tpu.dma_semaphore, #tpu.memory_space<semaphore_mem>>
      %dma_start3A = arith.constant 0 : i32
      %dma_start3A_42 = tpu.memref_slice %arg9[%dma_start3A] : memref<13824xf32, #tpu.memory_space<vmem>> -> memref<13728xf32, #tpu.memory_space<vmem>>
      %dma_start3A_43 = tpu.memref_slice %arg10[%add3A_14] : memref<440832xf32, #tpu.memory_space<vmem_shared>> -> memref<13728xf32, #tpu.memory_space<vmem_shared>>
      %dma_start3A_44 = tpu.memref_slice %arg10[%add3A_14] : memref<440832xf32, #tpu.memory_space<vmem_shared>> -> memref<13728xf32, #tpu.memory_space<vmem_shared>>
      %dma_start3A_45 = arith.constant 0 : i32
      %dma_start3A_46 = tpu.memref_slice %arg9[%dma_start3A_45] : memref<13824xf32, #tpu.memory_space<vmem>> -> memref<13728xf32, #tpu.memory_space<vmem>>
      tpu.enqueue_dma source(%dma_start3A_46 : memref<13728xf32, #tpu.memory_space<vmem>>) target(%dma_start3A_44 : memref<13728xf32, #tpu.memory_space<vmem_shared>>) target_semaphore(%run_scoped3A : memref<!tpu.dma_semaphore, #tpu.memory_space<semaphore_mem>>)
      %dma_wait3A = arith.constant 0 : i32
      %dma_wait3A_47 = tpu.memref_slice %arg9[%dma_wait3A] : memref<13824xf32, #tpu.memory_space<vmem>> -> memref<13728xf32, #tpu.memory_space<vmem>>
      %dma_wait3A_48 = tpu.memref_slice %arg10[%add3A_14] : memref<440832xf32, #tpu.memory_space<vmem_shared>> -> memref<13728xf32, #tpu.memory_space<vmem_shared>>
      %dma_wait3A_49 = tpu.memref_slice %arg10[%add3A_14] : memref<440832xf32, #tpu.memory_space<vmem_shared>> -> memref<13728xf32, #tpu.memory_space<vmem_shared>>
      %dma_wait3A_50 = arith.constant 0 : i32
      %dma_wait3A_51 = tpu.memref_slice %arg9[%dma_wait3A_50] : memref<13824xf32, #tpu.memory_space<vmem>> -> memref<13728xf32, #tpu.memory_space<vmem>>
      tpu.wait_dma2 semaphore(%run_scoped3A : memref<!tpu.dma_semaphore, #tpu.memory_space<semaphore_mem>>) src(%dma_wait3A_51 : memref<13728xf32, #tpu.memory_space<vmem>>) dst(%dma_wait3A_49 : memref<13728xf32, #tpu.memory_space<vmem_shared>>)
      tpu.yield
    }) : () -> ()
    %mul3A_15 = arith.constant 13824 : i32
    %mul3A_16 = arith.muli %arg1, %mul3A_15 : i32
    "tpu.region"() ({
      %run_scoped3A = tpu.sem_alloc : memref<!tpu.dma_semaphore, #tpu.memory_space<semaphore_mem>>
      %dma_start3A = tpu.memref_slice %arg11[%mul3A_16] : memref<221184xf32, #tpu.memory_space<vmem_shared>> -> memref<13824xf32, #tpu.memory_space<vmem_shared>>
      %dma_start3A_42 = tpu.memref_slice %arg11[%mul3A_16] : memref<221184xf32, #tpu.memory_space<vmem_shared>> -> memref<13824xf32, #tpu.memory_space<vmem_shared>>
      tpu.enqueue_dma source(%arg9 : memref<13824xf32, #tpu.memory_space<vmem>>) target(%dma_start3A_42 : memref<13824xf32, #tpu.memory_space<vmem_shared>>) target_semaphore(%run_scoped3A : memref<!tpu.dma_semaphore, #tpu.memory_space<semaphore_mem>>)
      %dma_wait3A = tpu.memref_slice %arg11[%mul3A_16] : memref<221184xf32, #tpu.memory_space<vmem_shared>> -> memref<13824xf32, #tpu.memory_space<vmem_shared>>
      %dma_wait3A_43 = tpu.memref_slice %arg11[%mul3A_16] : memref<221184xf32, #tpu.memory_space<vmem_shared>> -> memref<13824xf32, #tpu.memory_space<vmem_shared>>
      tpu.wait_dma2 semaphore(%run_scoped3A : memref<!tpu.dma_semaphore, #tpu.memory_space<semaphore_mem>>) src(%arg9 : memref<13824xf32, #tpu.memory_space<vmem>>) dst(%dma_wait3A_43 : memref<13824xf32, #tpu.memory_space<vmem_shared>>)
      tpu.yield
    }) : () -> ()
    %barrier3A = arith.constant 0 : index
    tpu.barrier barrier_id(%barrier3A)
    %mul3A_17 = arith.constant 802816 : i32
    %mul3A_18 = arith.muli %arg0, %mul3A_17 : i32
    %mul3A_19 = arith.constant 50176 : i32
    %mul3A_20 = arith.muli %arg1, %mul3A_19 : i32
    %add3A_21 = arith.addi %mul3A_18, %mul3A_20 : i32
    %scan3A_22 = arith.constant 0 : i32
    %scan3A_23 = arith.constant 0 : i32
    %scan3A_24 = arith.constant 4 : i32
    %scan3A_25 = arith.addi %scan3A_23, %scan3A_24 : i32
    %scan3A_26 = arith.constant 1 : i32
    %scan3A_27 = scf.for %scan3A_42 = %scan3A_23 to %scan3A_25 step %scan3A_26 iter_args(%scan3A_43 = %scan3A_22) -> (i32)  : i32 {
      %mul3A_44 = arith.constant 12544 : i32
      %mul3A_45 = arith.muli %scan3A_42, %mul3A_44 : i32
      %add3A_46 = arith.addi %add3A_21, %mul3A_45 : i32
      "tpu.region"() ({
        %run_scoped3A = tpu.sem_alloc : memref<!tpu.dma_semaphore, #tpu.memory_space<semaphore_mem>>
        %dma_start3A = tpu.memref_slice %arg2[%add3A_46] : memref<1605632xi32, #tpu.memory_space<hbm>> -> memref<12544xi32, #tpu.memory_space<hbm>>
        %dma_start3A_48 = tpu.memref_slice %arg2[%add3A_46] : memref<1605632xi32, #tpu.memory_space<hbm>> -> memref<12544xi32, #tpu.memory_space<hbm>>
        tpu.enqueue_dma source(%dma_start3A_48 : memref<12544xi32, #tpu.memory_space<hbm>>) target(%arg5 : memref<12544xi32, #tpu.memory_space<vmem>>) target_semaphore(%run_scoped3A : memref<!tpu.dma_semaphore, #tpu.memory_space<semaphore_mem>>)
        %dma_wait3A = tpu.memref_slice %arg2[%add3A_46] : memref<1605632xi32, #tpu.memory_space<hbm>> -> memref<12544xi32, #tpu.memory_space<hbm>>
        %dma_wait3A_49 = tpu.memref_slice %arg2[%add3A_46] : memref<1605632xi32, #tpu.memory_space<hbm>> -> memref<12544xi32, #tpu.memory_space<hbm>>
        tpu.wait_dma2 semaphore(%run_scoped3A : memref<!tpu.dma_semaphore, #tpu.memory_space<semaphore_mem>>) src(%dma_wait3A_49 : memref<12544xi32, #tpu.memory_space<hbm>>) dst(%arg5 : memref<12544xi32, #tpu.memory_space<vmem>>)
        tpu.yield
      }) : () -> ()
      "tpu.region"() ({
        %run_scoped3A = tpu.sem_alloc : memref<!tpu.dma_semaphore, #tpu.memory_space<semaphore_mem>>
        %dma_start3A = arith.constant 0 : i32
        %dma_start3A_48 = tpu.memref_slice %arg10[%dma_start3A] : memref<440832xf32, #tpu.memory_space<vmem_shared>> -> memref<440832xf32, #tpu.memory_space<vmem_shared>>
        tpu.enqueue_indirect_dma source(%arg6 : memref<12544xf32, #tpu.memory_space<vmem>>) target(%dma_start3A_48 : memref<440832xf32, #tpu.memory_space<vmem_shared>>) offsets(%arg5 : memref<12544xi32, #tpu.memory_space<vmem>>) semaphore(%run_scoped3A : memref<!tpu.dma_semaphore, #tpu.memory_space<semaphore_mem>>)
        %dma_wait3A = arith.constant 0 : i32
        %dma_wait3A_49 = tpu.memref_slice %arg10[%dma_wait3A] : memref<440832xf32, #tpu.memory_space<vmem_shared>> -> memref<440832xf32, #tpu.memory_space<vmem_shared>>
        tpu.wait_indirect_dma semaphore(%run_scoped3A : memref<!tpu.dma_semaphore, #tpu.memory_space<semaphore_mem>>) src(%arg6 : memref<12544xf32, #tpu.memory_space<vmem>>) dst(%dma_wait3A_49 : memref<440832xf32, #tpu.memory_space<vmem_shared>>)
        tpu.yield
      }) : () -> ()
      %scan3A_47 = arith.constant 0 : i32
      scf.yield %scan3A_47 : i32
    }
    %scan3A_28 = arith.constant 4 : i32
    %barrier3A_29 = arith.constant 0 : index
    tpu.barrier barrier_id(%barrier3A_29)
    %scan3A_30 = arith.constant 0 : i32
    %scan3A_31 = arith.constant 0 : i32
    %scan3A_32 = arith.constant 2 : i32
    %scan3A_33 = arith.addi %scan3A_31, %scan3A_32 : i32
    %scan3A_34 = arith.constant 1 : i32
    %scan3A_35 = scf.for %scan3A_42 = %scan3A_31 to %scan3A_33 step %scan3A_34 iter_args(%scan3A_43 = %scan3A_30) -> (i32)  : i32 {
      %mul3A_44 = arith.constant 2 : i32
      %mul3A_45 = arith.muli %arg1, %mul3A_44 : i32
      %add3A_46 = arith.addi %mul3A_45, %scan3A_42 : i32
      %div3A = arith.constant 8 : i32
      %div3A_47 = arith.divsi %add3A_46, %div3A : i32
      %rem3A = arith.constant 8 : i32
      %rem3A_48 = arith.remsi %add3A_46, %rem3A : i32
      %mul3A_49 = arith.constant 6912 : i32
      %mul3A_50 = arith.muli %add3A_46, %mul3A_49 : i32
      %mul3A_51 = arith.constant 13776 : i32
      %mul3A_52 = arith.muli %add3A_46, %mul3A_51 : i32
      "tpu.region"() ({
        %run_scoped3A = tpu.sem_alloc : memref<!tpu.dma_semaphore, #tpu.memory_space<semaphore_mem>>
        %dma_start3A = tpu.memref_slice %arg10[%mul3A_52] : memref<440832xf32, #tpu.memory_space<vmem_shared>> -> memref<13776xf32, #tpu.memory_space<vmem_shared>>
        %dma_start3A_81 = tpu.memref_slice %arg10[%mul3A_52] : memref<440832xf32, #tpu.memory_space<vmem_shared>> -> memref<13776xf32, #tpu.memory_space<vmem_shared>>
        tpu.enqueue_dma source(%dma_start3A_81 : memref<13776xf32, #tpu.memory_space<vmem_shared>>) target(%arg8 : memref<13776xf32, #tpu.memory_space<vmem>>) target_semaphore(%run_scoped3A : memref<!tpu.dma_semaphore, #tpu.memory_space<semaphore_mem>>)
        %dma_wait3A = tpu.memref_slice %arg10[%mul3A_52] : memref<440832xf32, #tpu.memory_space<vmem_shared>> -> memref<13776xf32, #tpu.memory_space<vmem_shared>>
        %dma_wait3A_82 = tpu.memref_slice %arg10[%mul3A_52] : memref<440832xf32, #tpu.memory_space<vmem_shared>> -> memref<13776xf32, #tpu.memory_space<vmem_shared>>
        tpu.wait_dma2 semaphore(%run_scoped3A : memref<!tpu.dma_semaphore, #tpu.memory_space<semaphore_mem>>) src(%dma_wait3A_82 : memref<13776xf32, #tpu.memory_space<vmem_shared>>) dst(%arg8 : memref<13776xf32, #tpu.memory_space<vmem>>)
        tpu.yield
      }) : () -> ()
      %mul3A_53 = arith.constant 3 : i32
      %mul3A_54 = arith.muli %div3A_47, %mul3A_53 : i32
      %add3A_55 = arith.constant 0 : i32
      %add3A_56 = arith.addi %mul3A_54, %add3A_55 : i32
      %mul3A_57 = arith.constant 8 : i32
      %mul3A_58 = arith.muli %add3A_56, %mul3A_57 : i32
      %add3A_59 = arith.addi %mul3A_58, %rem3A_48 : i32
      %mul3A_60 = arith.constant 13776 : i32
      %mul3A_61 = arith.muli %add3A_59, %mul3A_60 : i32
      "tpu.region"() ({
        %run_scoped3A = tpu.sem_alloc : memref<!tpu.dma_semaphore, #tpu.memory_space<semaphore_mem>>
        %dma_start3A = tpu.memref_slice %arg3[%mul3A_61] : memref<1322496xi32, #tpu.memory_space<hbm>> -> memref<13776xi32, #tpu.memory_space<hbm>>
        %dma_start3A_81 = tpu.memref_slice %arg3[%mul3A_61] : memref<1322496xi32, #tpu.memory_space<hbm>> -> memref<13776xi32, #tpu.memory_space<hbm>>
        tpu.enqueue_dma source(%dma_start3A_81 : memref<13776xi32, #tpu.memory_space<hbm>>) target(%arg7 : memref<13776xi32, #tpu.memory_space<vmem>>) target_semaphore(%run_scoped3A : memref<!tpu.dma_semaphore, #tpu.memory_space<semaphore_mem>>)
        %dma_wait3A = tpu.memref_slice %arg3[%mul3A_61] : memref<1322496xi32, #tpu.memory_space<hbm>> -> memref<13776xi32, #tpu.memory_space<hbm>>
        %dma_wait3A_82 = tpu.memref_slice %arg3[%mul3A_61] : memref<1322496xi32, #tpu.memory_space<hbm>> -> memref<13776xi32, #tpu.memory_space<hbm>>
        tpu.wait_dma2 semaphore(%run_scoped3A : memref<!tpu.dma_semaphore, #tpu.memory_space<semaphore_mem>>) src(%dma_wait3A_82 : memref<13776xi32, #tpu.memory_space<hbm>>) dst(%arg7 : memref<13776xi32, #tpu.memory_space<vmem>>)
        tpu.yield
      }) : () -> ()
      "tpu.region"() ({
        %run_scoped3A = tpu.sem_alloc : memref<!tpu.dma_semaphore, #tpu.memory_space<semaphore_mem>>
        %dma_start3A = tpu.memref_slice %arg11[%mul3A_50] : memref<221184xf32, #tpu.memory_space<vmem_shared>> -> memref<6912xf32, #tpu.memory_space<vmem_shared>>
        %dma_start3A_81 = arith.constant 0 : i32
        %dma_start3A_82 = tpu.memref_slice %dma_start3A[%dma_start3A_81] : memref<6912xf32, #tpu.memory_space<vmem_shared>> -> memref<6912xf32, #tpu.memory_space<vmem_shared>>
        tpu.enqueue_indirect_dma source(%arg8 : memref<13776xf32, #tpu.memory_space<vmem>>) target(%dma_start3A_82 : memref<6912xf32, #tpu.memory_space<vmem_shared>>) offsets(%arg7 : memref<13776xi32, #tpu.memory_space<vmem>>) semaphore(%run_scoped3A : memref<!tpu.dma_semaphore, #tpu.memory_space<semaphore_mem>>) {add = true}
        %dma_wait3A = tpu.memref_slice %arg11[%mul3A_50] : memref<221184xf32, #tpu.memory_space<vmem_shared>> -> memref<6912xf32, #tpu.memory_space<vmem_shared>>
        %dma_wait3A_83 = arith.constant 0 : i32
        %dma_wait3A_84 = tpu.memref_slice %dma_wait3A[%dma_wait3A_83] : memref<6912xf32, #tpu.memory_space<vmem_shared>> -> memref<6912xf32, #tpu.memory_space<vmem_shared>>
        tpu.wait_indirect_dma semaphore(%run_scoped3A : memref<!tpu.dma_semaphore, #tpu.memory_space<semaphore_mem>>) src(%arg8 : memref<13776xf32, #tpu.memory_space<vmem>>) dst(%dma_wait3A_84 : memref<6912xf32, #tpu.memory_space<vmem_shared>>)
        tpu.yield
      }) : () -> ()
      %mul3A_62 = arith.constant 3 : i32
      %mul3A_63 = arith.muli %div3A_47, %mul3A_62 : i32
      %add3A_64 = arith.constant 1 : i32
      %add3A_65 = arith.addi %mul3A_63, %add3A_64 : i32
      %mul3A_66 = arith.constant 8 : i32
      %mul3A_67 = arith.muli %add3A_65, %mul3A_66 : i32
      %add3A_68 = arith.addi %mul3A_67, %rem3A_48 : i32
      %mul3A_69 = arith.constant 13776 : i32
      %mul3A_70 = arith.muli %add3A_68, %mul3A_69 : i32
      "tpu.region"() ({
        %run_scoped3A = tpu.sem_alloc : memref<!tpu.dma_semaphore, #tpu.memory_space<semaphore_mem>>
        %dma_start3A = tpu.memref_slice %arg3[%mul3A_70] : memref<1322496xi32, #tpu.memory_space<hbm>> -> memref<13776xi32, #tpu.memory_space<hbm>>
        %dma_start3A_81 = tpu.memref_slice %arg3[%mul3A_70] : memref<1322496xi32, #tpu.memory_space<hbm>> -> memref<13776xi32, #tpu.memory_space<hbm>>
        tpu.enqueue_dma source(%dma_start3A_81 : memref<13776xi32, #tpu.memory_space<hbm>>) target(%arg7 : memref<13776xi32, #tpu.memory_space<vmem>>) target_semaphore(%run_scoped3A : memref<!tpu.dma_semaphore, #tpu.memory_space<semaphore_mem>>)
        %dma_wait3A = tpu.memref_slice %arg3[%mul3A_70] : memref<1322496xi32, #tpu.memory_space<hbm>> -> memref<13776xi32, #tpu.memory_space<hbm>>
        %dma_wait3A_82 = tpu.memref_slice %arg3[%mul3A_70] : memref<1322496xi32, #tpu.memory_space<hbm>> -> memref<13776xi32, #tpu.memory_space<hbm>>
        tpu.wait_dma2 semaphore(%run_scoped3A : memref<!tpu.dma_semaphore, #tpu.memory_space<semaphore_mem>>) src(%dma_wait3A_82 : memref<13776xi32, #tpu.memory_space<hbm>>) dst(%arg7 : memref<13776xi32, #tpu.memory_space<vmem>>)
        tpu.yield
      }) : () -> ()
      "tpu.region"() ({
        %run_scoped3A = tpu.sem_alloc : memref<!tpu.dma_semaphore, #tpu.memory_space<semaphore_mem>>
        %dma_start3A = tpu.memref_slice %arg11[%mul3A_50] : memref<221184xf32, #tpu.memory_space<vmem_shared>> -> memref<6912xf32, #tpu.memory_space<vmem_shared>>
        %dma_start3A_81 = arith.constant 0 : i32
        %dma_start3A_82 = tpu.memref_slice %dma_start3A[%dma_start3A_81] : memref<6912xf32, #tpu.memory_space<vmem_shared>> -> memref<6912xf32, #tpu.memory_space<vmem_shared>>
        tpu.enqueue_indirect_dma source(%arg8 : memref<13776xf32, #tpu.memory_space<vmem>>) target(%dma_start3A_82 : memref<6912xf32, #tpu.memory_space<vmem_shared>>) offsets(%arg7 : memref<13776xi32, #tpu.memory_space<vmem>>) semaphore(%run_scoped3A : memref<!tpu.dma_semaphore, #tpu.memory_space<semaphore_mem>>) {add = true}
        %dma_wait3A = tpu.memref_slice %arg11[%mul3A_50] : memref<221184xf32, #tpu.memory_space<vmem_shared>> -> memref<6912xf32, #tpu.memory_space<vmem_shared>>
        %dma_wait3A_83 = arith.constant 0 : i32
        %dma_wait3A_84 = tpu.memref_slice %dma_wait3A[%dma_wait3A_83] : memref<6912xf32, #tpu.memory_space<vmem_shared>> -> memref<6912xf32, #tpu.memory_space<vmem_shared>>
        tpu.wait_indirect_dma semaphore(%run_scoped3A : memref<!tpu.dma_semaphore, #tpu.memory_space<semaphore_mem>>) src(%arg8 : memref<13776xf32, #tpu.memory_space<vmem>>) dst(%dma_wait3A_84 : memref<6912xf32, #tpu.memory_space<vmem_shared>>)
        tpu.yield
      }) : () -> ()
      %mul3A_71 = arith.constant 3 : i32
      %mul3A_72 = arith.muli %div3A_47, %mul3A_71 : i32
      %add3A_73 = arith.constant 2 : i32
      %add3A_74 = arith.addi %mul3A_72, %add3A_73 : i32
      %mul3A_75 = arith.constant 8 : i32
      %mul3A_76 = arith.muli %add3A_74, %mul3A_75 : i32
      %add3A_77 = arith.addi %mul3A_76, %rem3A_48 : i32
      %mul3A_78 = arith.constant 13776 : i32
      %mul3A_79 = arith.muli %add3A_77, %mul3A_78 : i32
      "tpu.region"() ({
        %run_scoped3A = tpu.sem_alloc : memref<!tpu.dma_semaphore, #tpu.memory_space<semaphore_mem>>
        %dma_start3A = tpu.memref_slice %arg3[%mul3A_79] : memref<1322496xi32, #tpu.memory_space<hbm>> -> memref<13776xi32, #tpu.memory_space<hbm>>
        %dma_start3A_81 = tpu.memref_slice %arg3[%mul3A_79] : memref<1322496xi32, #tpu.memory_space<hbm>> -> memref<13776xi32, #tpu.memory_space<hbm>>
        tpu.enqueue_dma source(%dma_start3A_81 : memref<13776xi32, #tpu.memory_space<hbm>>) target(%arg7 : memref<13776xi32, #tpu.memory_space<vmem>>) target_semaphore(%run_scoped3A : memref<!tpu.dma_semaphore, #tpu.memory_space<semaphore_mem>>)
        %dma_wait3A = tpu.memref_slice %arg3[%mul3A_79] : memref<1322496xi32, #tpu.memory_space<hbm>> -> memref<13776xi32, #tpu.memory_space<hbm>>
        %dma_wait3A_82 = tpu.memref_slice %arg3[%mul3A_79] : memref<1322496xi32, #tpu.memory_space<hbm>> -> memref<13776xi32, #tpu.memory_space<hbm>>
        tpu.wait_dma2 semaphore(%run_scoped3A : memref<!tpu.dma_semaphore, #tpu.memory_space<semaphore_mem>>) src(%dma_wait3A_82 : memref<13776xi32, #tpu.memory_space<hbm>>) dst(%arg7 : memref<13776xi32, #tpu.memory_space<vmem>>)
        tpu.yield
      }) : () -> ()
      "tpu.region"() ({
        %run_scoped3A = tpu.sem_alloc : memref<!tpu.dma_semaphore, #tpu.memory_space<semaphore_mem>>
        %dma_start3A = tpu.memref_slice %arg11[%mul3A_50] : memref<221184xf32, #tpu.memory_space<vmem_shared>> -> memref<6912xf32, #tpu.memory_space<vmem_shared>>
        %dma_start3A_81 = arith.constant 0 : i32
        %dma_start3A_82 = tpu.memref_slice %dma_start3A[%dma_start3A_81] : memref<6912xf32, #tpu.memory_space<vmem_shared>> -> memref<6912xf32, #tpu.memory_space<vmem_shared>>
        tpu.enqueue_indirect_dma source(%arg8 : memref<13776xf32, #tpu.memory_space<vmem>>) target(%dma_start3A_82 : memref<6912xf32, #tpu.memory_space<vmem_shared>>) offsets(%arg7 : memref<13776xi32, #tpu.memory_space<vmem>>) semaphore(%run_scoped3A : memref<!tpu.dma_semaphore, #tpu.memory_space<semaphore_mem>>) {add = true}
        %dma_wait3A = tpu.memref_slice %arg11[%mul3A_50] : memref<221184xf32, #tpu.memory_space<vmem_shared>> -> memref<6912xf32, #tpu.memory_space<vmem_shared>>
        %dma_wait3A_83 = arith.constant 0 : i32
        %dma_wait3A_84 = tpu.memref_slice %dma_wait3A[%dma_wait3A_83] : memref<6912xf32, #tpu.memory_space<vmem_shared>> -> memref<6912xf32, #tpu.memory_space<vmem_shared>>
        tpu.wait_indirect_dma semaphore(%run_scoped3A : memref<!tpu.dma_semaphore, #tpu.memory_space<semaphore_mem>>) src(%arg8 : memref<13776xf32, #tpu.memory_space<vmem>>) dst(%dma_wait3A_84 : memref<6912xf32, #tpu.memory_space<vmem_shared>>)
        tpu.yield
      }) : () -> ()
      %scan3A_80 = arith.constant 0 : i32
      scf.yield %scan3A_80 : i32
    }
    %scan3A_36 = arith.constant 2 : i32
    %barrier3A_37 = arith.constant 0 : index
    tpu.barrier barrier_id(%barrier3A_37)
    %mul3A_38 = arith.constant 13824 : i32
    %mul3A_39 = arith.muli %arg1, %mul3A_38 : i32
    %mul3A_40 = arith.constant 13824 : i32
    %mul3A_41 = arith.muli %arg1, %mul3A_40 : i32
    "tpu.region"() ({
      %run_scoped3A = tpu.sem_alloc : memref<!tpu.dma_semaphore, #tpu.memory_space<semaphore_mem>>
      %dma_start3A = tpu.memref_slice %arg4[%arg0, %mul3A_41] : memref<2x221184xf32, #tpu.memory_space<hbm>> -> memref<1x13824xf32, #tpu.memory_space<hbm>>
      %dma_start3A_42 = tpu.memref_squeeze %dma_start3A : memref<1x13824xf32, #tpu.memory_space<hbm>> -> memref<13824xf32, #tpu.memory_space<hbm>>
      %dma_start3A_43 = tpu.memref_slice %arg11[%mul3A_39] : memref<221184xf32, #tpu.memory_space<vmem_shared>> -> memref<13824xf32, #tpu.memory_space<vmem_shared>>
      tpu.enqueue_dma source(%dma_start3A_43 : memref<13824xf32, #tpu.memory_space<vmem_shared>>) target(%dma_start3A_42 : memref<13824xf32, #tpu.memory_space<hbm>>) target_semaphore(%run_scoped3A : memref<!tpu.dma_semaphore, #tpu.memory_space<semaphore_mem>>)
      %dma_wait3A = tpu.memref_slice %arg4[%arg0, %mul3A_41] : memref<2x221184xf32, #tpu.memory_space<hbm>> -> memref<1x13824xf32, #tpu.memory_space<hbm>>
      %dma_wait3A_44 = tpu.memref_squeeze %dma_wait3A : memref<1x13824xf32, #tpu.memory_space<hbm>> -> memref<13824xf32, #tpu.memory_space<hbm>>
      %dma_wait3A_45 = tpu.memref_slice %arg11[%mul3A_39] : memref<221184xf32, #tpu.memory_space<vmem_shared>> -> memref<13824xf32, #tpu.memory_space<vmem_shared>>
      tpu.wait_dma2 semaphore(%run_scoped3A : memref<!tpu.dma_semaphore, #tpu.memory_space<semaphore_mem>>) src(%dma_wait3A_45 : memref<13824xf32, #tpu.memory_space<vmem_shared>>) dst(%dma_wait3A_44 : memref<13824xf32, #tpu.memory_space<hbm>>)
      tpu.yield
    }) : () -> ()
    return
  }
}

#map = affine_map<(d0, d1) -> (0)>
#map1 = affine_map<(d0, d1) -> (0, 0)>
module attributes {stable_mosaic.version = 14 : i64} {
  func.func @_loss_body(%arg0: i32, %arg1: i32, %arg2: memref<663552xf32, #tpu.memory_space<hbm>>, %arg3: memref<1536xf32, #tpu.memory_space<hbm>>, %arg4: memref<3211264xf32, #tpu.memory_space<hbm>>, %arg5: memref<2x221184xf32, #tpu.memory_space<hbm>>, %arg6: memref<32x16xf32, #tpu.memory_space<hbm>>, %arg7: memref<100352xf32, #tpu.memory_space<vmem>>, %arg8: memref<3456xf32, #tpu.memory_space<vmem>>, %arg9: memref<3456xf32, #tpu.memory_space<vmem>>, %arg10: memref<3456xf32, #tpu.memory_space<vmem>>, %arg11: memref<3456xf32, #tpu.memory_space<vmem>>, %arg12: memref<3456xf32, #tpu.memory_space<vmem>>, %arg13: memref<3456xf32, #tpu.memory_space<vmem>>, %arg14: memref<48xf32, #tpu.memory_space<vmem>>, %arg15: memref<48xf32, #tpu.memory_space<vmem>>, %arg16: memref<16xf32, #tpu.memory_space<vmem>>) attributes {dimension_semantics = [#tpu.dimension_semantics<core_parallel>, #tpu.dimension_semantics<subcore_parallel>], iteration_bounds = array<i64: 2, 16>, scalar_prefetch = 0 : i64, scratch_operands = 10 : i64, tpu.core_type = #tpu.core_type<sc_vector_subcore>, window_params = [{transform_indices = #map}, {transform_indices = #map}, {transform_indices = #map}, {transform_indices = #map1}, {transform_indices = #map1}]} {
    %mul3A = arith.constant 2 : i32
    %mul3A_0 = arith.muli %arg1, %mul3A : i32
    %add3A = arith.addi %mul3A_0, %arg0 : i32
    %rem3A = arith.constant 8 : i32
    %rem3A_1 = arith.remsi %add3A, %rem3A : i32
    %sub3A = arith.constant 1 : i32
    %sub3A_2 = arith.subi %add3A, %sub3A : i32
    %max3A = arith.constant 0 : i32
    %max3A_3 = arith.maxsi %sub3A_2, %max3A : i32
    %div3A = arith.constant 8 : i32
    %div3A_4 = arith.divsi %add3A, %div3A : i32
    %rem3A_5 = arith.constant 8 : i32
    %rem3A_6 = arith.remsi %add3A, %rem3A_5 : i32
    %div3A_7 = arith.constant 8 : i32
    %div3A_8 = arith.divsi %max3A_3, %div3A_7 : i32
    %rem3A_9 = arith.constant 8 : i32
    %rem3A_10 = arith.remsi %max3A_3, %rem3A_9 : i32
    %iota3A = tpu.iota {dimensions = array<i32: 0>} : vector<16xi32>
    %mul3A_11 = arith.constant 100352 : i32
    %mul3A_12 = arith.muli %add3A, %mul3A_11 : i32
    "tpu.region"() ({
      %run_scoped3A = tpu.sem_alloc : memref<!tpu.dma_semaphore, #tpu.memory_space<semaphore_mem>>
      %dma_start3A = tpu.memref_slice %arg4[%mul3A_12] : memref<3211264xf32, #tpu.memory_space<hbm>> -> memref<100352xf32, #tpu.memory_space<hbm>>
      %dma_start3A_57 = tpu.memref_slice %arg4[%mul3A_12] : memref<3211264xf32, #tpu.memory_space<hbm>> -> memref<100352xf32, #tpu.memory_space<hbm>>
      tpu.enqueue_dma source(%dma_start3A_57 : memref<100352xf32, #tpu.memory_space<hbm>>) target(%arg7 : memref<100352xf32, #tpu.memory_space<vmem>>) target_semaphore(%run_scoped3A : memref<!tpu.dma_semaphore, #tpu.memory_space<semaphore_mem>>)
      %dma_wait3A = tpu.memref_slice %arg4[%mul3A_12] : memref<3211264xf32, #tpu.memory_space<hbm>> -> memref<100352xf32, #tpu.memory_space<hbm>>
      %dma_wait3A_58 = tpu.memref_slice %arg4[%mul3A_12] : memref<3211264xf32, #tpu.memory_space<hbm>> -> memref<100352xf32, #tpu.memory_space<hbm>>
      tpu.wait_dma2 semaphore(%run_scoped3A : memref<!tpu.dma_semaphore, #tpu.memory_space<semaphore_mem>>) src(%dma_wait3A_58 : memref<100352xf32, #tpu.memory_space<hbm>>) dst(%arg7 : memref<100352xf32, #tpu.memory_space<vmem>>)
      tpu.yield
    }) : () -> ()
    %mul3A_13 = arith.constant 3 : i32
    %mul3A_14 = arith.muli %add3A, %mul3A_13 : i32
    %mul3A_15 = arith.constant 16 : i32
    %mul3A_16 = arith.muli %mul3A_14, %mul3A_15 : i32
    "tpu.region"() ({
      %run_scoped3A = tpu.sem_alloc : memref<!tpu.dma_semaphore, #tpu.memory_space<semaphore_mem>>
      %dma_start3A = tpu.memref_slice %arg3[%mul3A_16] : memref<1536xf32, #tpu.memory_space<hbm>> -> memref<48xf32, #tpu.memory_space<hbm>>
      %dma_start3A_57 = tpu.memref_slice %arg3[%mul3A_16] : memref<1536xf32, #tpu.memory_space<hbm>> -> memref<48xf32, #tpu.memory_space<hbm>>
      tpu.enqueue_dma source(%dma_start3A_57 : memref<48xf32, #tpu.memory_space<hbm>>) target(%arg14 : memref<48xf32, #tpu.memory_space<vmem>>) target_semaphore(%run_scoped3A : memref<!tpu.dma_semaphore, #tpu.memory_space<semaphore_mem>>)
      %dma_wait3A = tpu.memref_slice %arg3[%mul3A_16] : memref<1536xf32, #tpu.memory_space<hbm>> -> memref<48xf32, #tpu.memory_space<hbm>>
      %dma_wait3A_58 = tpu.memref_slice %arg3[%mul3A_16] : memref<1536xf32, #tpu.memory_space<hbm>> -> memref<48xf32, #tpu.memory_space<hbm>>
      tpu.wait_dma2 semaphore(%run_scoped3A : memref<!tpu.dma_semaphore, #tpu.memory_space<semaphore_mem>>) src(%dma_wait3A_58 : memref<48xf32, #tpu.memory_space<hbm>>) dst(%arg14 : memref<48xf32, #tpu.memory_space<vmem>>)
      tpu.yield
    }) : () -> ()
    %mul3A_17 = arith.constant 3 : i32
    %mul3A_18 = arith.muli %max3A_3, %mul3A_17 : i32
    %mul3A_19 = arith.constant 16 : i32
    %mul3A_20 = arith.muli %mul3A_18, %mul3A_19 : i32
    "tpu.region"() ({
      %run_scoped3A = tpu.sem_alloc : memref<!tpu.dma_semaphore, #tpu.memory_space<semaphore_mem>>
      %dma_start3A = tpu.memref_slice %arg3[%mul3A_20] : memref<1536xf32, #tpu.memory_space<hbm>> -> memref<48xf32, #tpu.memory_space<hbm>>
      %dma_start3A_57 = tpu.memref_slice %arg3[%mul3A_20] : memref<1536xf32, #tpu.memory_space<hbm>> -> memref<48xf32, #tpu.memory_space<hbm>>
      tpu.enqueue_dma source(%dma_start3A_57 : memref<48xf32, #tpu.memory_space<hbm>>) target(%arg15 : memref<48xf32, #tpu.memory_space<vmem>>) target_semaphore(%run_scoped3A : memref<!tpu.dma_semaphore, #tpu.memory_space<semaphore_mem>>)
      %dma_wait3A = tpu.memref_slice %arg3[%mul3A_20] : memref<1536xf32, #tpu.memory_space<hbm>> -> memref<48xf32, #tpu.memory_space<hbm>>
      %dma_wait3A_58 = tpu.memref_slice %arg3[%mul3A_20] : memref<1536xf32, #tpu.memory_space<hbm>> -> memref<48xf32, #tpu.memory_space<hbm>>
      tpu.wait_dma2 semaphore(%run_scoped3A : memref<!tpu.dma_semaphore, #tpu.memory_space<semaphore_mem>>) src(%dma_wait3A_58 : memref<48xf32, #tpu.memory_space<hbm>>) dst(%arg15 : memref<48xf32, #tpu.memory_space<vmem>>)
      tpu.yield
    }) : () -> ()
    %get3A = arith.constant 0 : index
    %get3A_21 = tpu.vector_load %arg14[%get3A] {strides = array<i32>} : memref<48xf32, #tpu.memory_space<vmem>>, vector<16xf32>,
    %get3A_22 = arith.constant 16 : index
    %get3A_23 = tpu.vector_load %arg14[%get3A_22] {strides = array<i32>} : memref<48xf32, #tpu.memory_space<vmem>>, vector<16xf32>,
    %get3A_24 = arith.constant 32 : index
    %get3A_25 = tpu.vector_load %arg14[%get3A_24] {strides = array<i32>} : memref<48xf32, #tpu.memory_space<vmem>>, vector<16xf32>,
    %get3A_26 = arith.constant 0 : index
    %get3A_27 = tpu.vector_load %arg15[%get3A_26] {strides = array<i32>} : memref<48xf32, #tpu.memory_space<vmem>>, vector<16xf32>,
    %get3A_28 = arith.constant 16 : index
    %get3A_29 = tpu.vector_load %arg15[%get3A_28] {strides = array<i32>} : memref<48xf32, #tpu.memory_space<vmem>>, vector<16xf32>,
    %get3A_30 = arith.constant 32 : index
    %get3A_31 = tpu.vector_load %arg15[%get3A_30] {strides = array<i32>} : memref<48xf32, #tpu.memory_space<vmem>>, vector<16xf32>,
    %ne3A = arith.constant 0 : i32
    %ne3A_32 = arith.cmpi ne, %rem3A_1, %ne3A : i32
    %jit3A = arith.constant 1.000000e+00 : f32
    %jit3A_33 = arith.constant 0.000000e+00 : f32
    %select_n3A = arith.select %ne3A_32, %jit3A, %jit3A_33 : f32
    %broadcast_in_dim3A = arith.constant 0.000000e+00 : f32
    %broadcast_in_dim3A_34 = vector.broadcast %broadcast_in_dim3A : f32 to vector<16xf32>
    %scan3A = arith.constant 0 : i32
    %scan3A_35 = arith.constant 2 : i32
    %scan3A_36 = arith.addi %scan3A, %scan3A_35 : i32
    %scan3A_37 = arith.constant 1 : i32
    %scan3A_38:2 = scf.for %scan3A_57 = %scan3A to %scan3A_36 step %scan3A_37 iter_args(%scan3A_58 = %broadcast_in_dim3A_34, %scan3A_59 = %broadcast_in_dim3A_34) -> (vector<16xf32>, vector<16xf32>)  : i32 {
      %mul3A_60 = arith.constant 3456 : i32
      %mul3A_61 = arith.muli %scan3A_57, %mul3A_60 : i32
      %mul3A_62 = arith.constant 3 : i32
      %mul3A_63 = arith.muli %div3A_4, %mul3A_62 : i32
      %add3A_64 = arith.constant 0 : i32
      %add3A_65 = arith.addi %mul3A_63, %add3A_64 : i32
      %mul3A_66 = arith.constant 8 : i32
      %mul3A_67 = arith.muli %add3A_65, %mul3A_66 : i32
      %add3A_68 = arith.addi %mul3A_67, %rem3A_6 : i32
      %mul3A_69 = arith.constant 6912 : i32
      %mul3A_70 = arith.muli %add3A_68, %mul3A_69 : i32
      %add3A_71 = arith.addi %mul3A_70, %mul3A_61 : i32
      "tpu.region"() ({
        %run_scoped3A_115 = tpu.sem_alloc : memref<!tpu.dma_semaphore, #tpu.memory_space<semaphore_mem>>
        %dma_start3A = tpu.memref_slice %arg2[%add3A_71] : memref<663552xf32, #tpu.memory_space<hbm>> -> memref<3456xf32, #tpu.memory_space<hbm>>
        %dma_start3A_116 = tpu.memref_slice %arg2[%add3A_71] : memref<663552xf32, #tpu.memory_space<hbm>> -> memref<3456xf32, #tpu.memory_space<hbm>>
        tpu.enqueue_dma source(%dma_start3A_116 : memref<3456xf32, #tpu.memory_space<hbm>>) target(%arg8 : memref<3456xf32, #tpu.memory_space<vmem>>) target_semaphore(%run_scoped3A_115 : memref<!tpu.dma_semaphore, #tpu.memory_space<semaphore_mem>>)
        %dma_wait3A = tpu.memref_slice %arg2[%add3A_71] : memref<663552xf32, #tpu.memory_space<hbm>> -> memref<3456xf32, #tpu.memory_space<hbm>>
        %dma_wait3A_117 = tpu.memref_slice %arg2[%add3A_71] : memref<663552xf32, #tpu.memory_space<hbm>> -> memref<3456xf32, #tpu.memory_space<hbm>>
        tpu.wait_dma2 semaphore(%run_scoped3A_115 : memref<!tpu.dma_semaphore, #tpu.memory_space<semaphore_mem>>) src(%dma_wait3A_117 : memref<3456xf32, #tpu.memory_space<hbm>>) dst(%arg8 : memref<3456xf32, #tpu.memory_space<vmem>>)
        tpu.yield
      }) : () -> ()
      %mul3A_72 = arith.constant 3 : i32
      %mul3A_73 = arith.muli %div3A_4, %mul3A_72 : i32
      %add3A_74 = arith.constant 1 : i32
      %add3A_75 = arith.addi %mul3A_73, %add3A_74 : i32
      %mul3A_76 = arith.constant 8 : i32
      %mul3A_77 = arith.muli %add3A_75, %mul3A_76 : i32
      %add3A_78 = arith.addi %mul3A_77, %rem3A_6 : i32
      %mul3A_79 = arith.constant 6912 : i32
      %mul3A_80 = arith.muli %add3A_78, %mul3A_79 : i32
      %add3A_81 = arith.addi %mul3A_80, %mul3A_61 : i32
      "tpu.region"() ({
        %run_scoped3A_115 = tpu.sem_alloc : memref<!tpu.dma_semaphore, #tpu.memory_space<semaphore_mem>>
        %dma_start3A = tpu.memref_slice %arg2[%add3A_81] : memref<663552xf32, #tpu.memory_space<hbm>> -> memref<3456xf32, #tpu.memory_space<hbm>>
        %dma_start3A_116 = tpu.memref_slice %arg2[%add3A_81] : memref<663552xf32, #tpu.memory_space<hbm>> -> memref<3456xf32, #tpu.memory_space<hbm>>
        tpu.enqueue_dma source(%dma_start3A_116 : memref<3456xf32, #tpu.memory_space<hbm>>) target(%arg9 : memref<3456xf32, #tpu.memory_space<vmem>>) target_semaphore(%run_scoped3A_115 : memref<!tpu.dma_semaphore, #tpu.memory_space<semaphore_mem>>)
        %dma_wait3A = tpu.memref_slice %arg2[%add3A_81] : memref<663552xf32, #tpu.memory_space<hbm>> -> memref<3456xf32, #tpu.memory_space<hbm>>
        %dma_wait3A_117 = tpu.memref_slice %arg2[%add3A_81] : memref<663552xf32, #tpu.memory_space<hbm>> -> memref<3456xf32, #tpu.memory_space<hbm>>
        tpu.wait_dma2 semaphore(%run_scoped3A_115 : memref<!tpu.dma_semaphore, #tpu.memory_space<semaphore_mem>>) src(%dma_wait3A_117 : memref<3456xf32, #tpu.memory_space<hbm>>) dst(%arg9 : memref<3456xf32, #tpu.memory_space<vmem>>)
        tpu.yield
      }) : () -> ()
      %mul3A_82 = arith.constant 3 : i32
      %mul3A_83 = arith.muli %div3A_8, %mul3A_82 : i32
      %add3A_84 = arith.constant 0 : i32
      %add3A_85 = arith.addi %mul3A_83, %add3A_84 : i32
      %mul3A_86 = arith.constant 8 : i32
      %mul3A_87 = arith.muli %add3A_85, %mul3A_86 : i32
      %add3A_88 = arith.addi %mul3A_87, %rem3A_10 : i32
      %mul3A_89 = arith.constant 6912 : i32
      %mul3A_90 = arith.muli %add3A_88, %mul3A_89 : i32
      %add3A_91 = arith.addi %mul3A_90, %mul3A_61 : i32
      "tpu.region"() ({
        %run_scoped3A_115 = tpu.sem_alloc : memref<!tpu.dma_semaphore, #tpu.memory_space<semaphore_mem>>
        %dma_start3A = tpu.memref_slice %arg2[%add3A_91] : memref<663552xf32, #tpu.memory_space<hbm>> -> memref<3456xf32, #tpu.memory_space<hbm>>
        %dma_start3A_116 = tpu.memref_slice %arg2[%add3A_91] : memref<663552xf32, #tpu.memory_space<hbm>> -> memref<3456xf32, #tpu.memory_space<hbm>>
        tpu.enqueue_dma source(%dma_start3A_116 : memref<3456xf32, #tpu.memory_space<hbm>>) target(%arg10 : memref<3456xf32, #tpu.memory_space<vmem>>) target_semaphore(%run_scoped3A_115 : memref<!tpu.dma_semaphore, #tpu.memory_space<semaphore_mem>>)
        %dma_wait3A = tpu.memref_slice %arg2[%add3A_91] : memref<663552xf32, #tpu.memory_space<hbm>> -> memref<3456xf32, #tpu.memory_space<hbm>>
        %dma_wait3A_117 = tpu.memref_slice %arg2[%add3A_91] : memref<663552xf32, #tpu.memory_space<hbm>> -> memref<3456xf32, #tpu.memory_space<hbm>>
        tpu.wait_dma2 semaphore(%run_scoped3A_115 : memref<!tpu.dma_semaphore, #tpu.memory_space<semaphore_mem>>) src(%dma_wait3A_117 : memref<3456xf32, #tpu.memory_space<hbm>>) dst(%arg10 : memref<3456xf32, #tpu.memory_space<vmem>>)
        tpu.yield
      }) : () -> ()
      %mul3A_92 = arith.constant 3 : i32
      %mul3A_93 = arith.muli %div3A_8, %mul3A_92 : i32
      %add3A_94 = arith.constant 1 : i32
      %add3A_95 = arith.addi %mul3A_93, %add3A_94 : i32
      %mul3A_96 = arith.constant 8 : i32
      %mul3A_97 = arith.muli %add3A_95, %mul3A_96 : i32
      %add3A_98 = arith.addi %mul3A_97, %rem3A_10 : i32
      %mul3A_99 = arith.constant 6912 : i32
      %mul3A_100 = arith.muli %add3A_98, %mul3A_99 : i32
      %add3A_101 = arith.addi %mul3A_100, %mul3A_61 : i32
      "tpu.region"() ({
        %run_scoped3A_115 = tpu.sem_alloc : memref<!tpu.dma_semaphore, #tpu.memory_space<semaphore_mem>>
        %dma_start3A = tpu.memref_slice %arg2[%add3A_101] : memref<663552xf32, #tpu.memory_space<hbm>> -> memref<3456xf32, #tpu.memory_space<hbm>>
        %dma_start3A_116 = tpu.memref_slice %arg2[%add3A_101] : memref<663552xf32, #tpu.memory_space<hbm>> -> memref<3456xf32, #tpu.memory_space<hbm>>
        tpu.enqueue_dma source(%dma_start3A_116 : memref<3456xf32, #tpu.memory_space<hbm>>) target(%arg11 : memref<3456xf32, #tpu.memory_space<vmem>>) target_semaphore(%run_scoped3A_115 : memref<!tpu.dma_semaphore, #tpu.memory_space<semaphore_mem>>)
        %dma_wait3A = tpu.memref_slice %arg2[%add3A_101] : memref<663552xf32, #tpu.memory_space<hbm>> -> memref<3456xf32, #tpu.memory_space<hbm>>
        %dma_wait3A_117 = tpu.memref_slice %arg2[%add3A_101] : memref<663552xf32, #tpu.memory_space<hbm>> -> memref<3456xf32, #tpu.memory_space<hbm>>
        tpu.wait_dma2 semaphore(%run_scoped3A_115 : memref<!tpu.dma_semaphore, #tpu.memory_space<semaphore_mem>>) src(%dma_wait3A_117 : memref<3456xf32, #tpu.memory_space<hbm>>) dst(%arg11 : memref<3456xf32, #tpu.memory_space<vmem>>)
        tpu.yield
      }) : () -> ()
      %mul3A_102 = arith.constant 6912 : i32
      %mul3A_103 = arith.muli %add3A, %mul3A_102 : i32
      %add3A_104 = arith.addi %mul3A_103, %mul3A_61 : i32
      %run_scoped3A = arith.constant 0 : i32
      "tpu.region"() ({
        %run_scoped3A_115 = tpu.sem_alloc : memref<!tpu.dma_semaphore, #tpu.memory_space<semaphore_mem>>
        %dma_start3A = tpu.memref_slice %arg5[%run_scoped3A, %add3A_104] : memref<2x221184xf32, #tpu.memory_space<hbm>> -> memref<1x3456xf32, #tpu.memory_space<hbm>>
        %dma_start3A_116 = tpu.memref_squeeze %dma_start3A : memref<1x3456xf32, #tpu.memory_space<hbm>> -> memref<3456xf32, #tpu.memory_space<hbm>>
        %dma_start3A_117 = tpu.memref_slice %arg5[%run_scoped3A, %add3A_104] : memref<2x221184xf32, #tpu.memory_space<hbm>> -> memref<1x3456xf32, #tpu.memory_space<hbm>>
        %dma_start3A_118 = tpu.memref_squeeze %dma_start3A_117 : memref<1x3456xf32, #tpu.memory_space<hbm>> -> memref<3456xf32, #tpu.memory_space<hbm>>
        tpu.enqueue_dma source(%dma_start3A_118 : memref<3456xf32, #tpu.memory_space<hbm>>) target(%arg12 : memref<3456xf32, #tpu.memory_space<vmem>>) target_semaphore(%run_scoped3A_115 : memref<!tpu.dma_semaphore, #tpu.memory_space<semaphore_mem>>)
        %dma_wait3A = tpu.memref_slice %arg5[%run_scoped3A, %add3A_104] : memref<2x221184xf32, #tpu.memory_space<hbm>> -> memref<1x3456xf32, #tpu.memory_space<hbm>>
        %dma_wait3A_119 = tpu.memref_squeeze %dma_wait3A : memref<1x3456xf32, #tpu.memory_space<hbm>> -> memref<3456xf32, #tpu.memory_space<hbm>>
        %dma_wait3A_120 = tpu.memref_slice %arg5[%run_scoped3A, %add3A_104] : memref<2x221184xf32, #tpu.memory_space<hbm>> -> memref<1x3456xf32, #tpu.memory_space<hbm>>
        %dma_wait3A_121 = tpu.memref_squeeze %dma_wait3A_120 : memref<1x3456xf32, #tpu.memory_space<hbm>> -> memref<3456xf32, #tpu.memory_space<hbm>>
        tpu.wait_dma2 semaphore(%run_scoped3A_115 : memref<!tpu.dma_semaphore, #tpu.memory_space<semaphore_mem>>) src(%dma_wait3A_121 : memref<3456xf32, #tpu.memory_space<hbm>>) dst(%arg12 : memref<3456xf32, #tpu.memory_space<vmem>>)
        tpu.yield
      }) : () -> ()
      %mul3A_105 = arith.constant 6912 : i32
      %mul3A_106 = arith.muli %add3A, %mul3A_105 : i32
      %add3A_107 = arith.addi %mul3A_106, %mul3A_61 : i32
      %run_scoped3A_108 = arith.constant 1 : i32
      "tpu.region"() ({
        %run_scoped3A_115 = tpu.sem_alloc : memref<!tpu.dma_semaphore, #tpu.memory_space<semaphore_mem>>
        %dma_start3A = tpu.memref_slice %arg5[%run_scoped3A_108, %add3A_107] : memref<2x221184xf32, #tpu.memory_space<hbm>> -> memref<1x3456xf32, #tpu.memory_space<hbm>>
        %dma_start3A_116 = tpu.memref_squeeze %dma_start3A : memref<1x3456xf32, #tpu.memory_space<hbm>> -> memref<3456xf32, #tpu.memory_space<hbm>>
        %dma_start3A_117 = tpu.memref_slice %arg5[%run_scoped3A_108, %add3A_107] : memref<2x221184xf32, #tpu.memory_space<hbm>> -> memref<1x3456xf32, #tpu.memory_space<hbm>>
        %dma_start3A_118 = tpu.memref_squeeze %dma_start3A_117 : memref<1x3456xf32, #tpu.memory_space<hbm>> -> memref<3456xf32, #tpu.memory_space<hbm>>
        tpu.enqueue_dma source(%dma_start3A_118 : memref<3456xf32, #tpu.memory_space<hbm>>) target(%arg13 : memref<3456xf32, #tpu.memory_space<vmem>>) target_semaphore(%run_scoped3A_115 : memref<!tpu.dma_semaphore, #tpu.memory_space<semaphore_mem>>)
        %dma_wait3A = tpu.memref_slice %arg5[%run_scoped3A_108, %add3A_107] : memref<2x221184xf32, #tpu.memory_space<hbm>> -> memref<1x3456xf32, #tpu.memory_space<hbm>>
        %dma_wait3A_119 = tpu.memref_squeeze %dma_wait3A : memref<1x3456xf32, #tpu.memory_space<hbm>> -> memref<3456xf32, #tpu.memory_space<hbm>>
        %dma_wait3A_120 = tpu.memref_slice %arg5[%run_scoped3A_108, %add3A_107] : memref<2x221184xf32, #tpu.memory_space<hbm>> -> memref<1x3456xf32, #tpu.memory_space<hbm>>
        %dma_wait3A_121 = tpu.memref_squeeze %dma_wait3A_120 : memref<1x3456xf32, #tpu.memory_space<hbm>> -> memref<3456xf32, #tpu.memory_space<hbm>>
        tpu.wait_dma2 semaphore(%run_scoped3A_115 : memref<!tpu.dma_semaphore, #tpu.memory_space<semaphore_mem>>) src(%dma_wait3A_121 : memref<3456xf32, #tpu.memory_space<hbm>>) dst(%arg13 : memref<3456xf32, #tpu.memory_space<vmem>>)
        tpu.yield
      }) : () -> ()
      %scan3A_109 = arith.constant 0 : i32
      %scan3A_110 = arith.constant 216 : i32
      %scan3A_111 = arith.addi %scan3A_109, %scan3A_110 : i32
      %scan3A_112 = arith.constant 1 : i32
      %scan3A_113:2 = scf.for %scan3A_115 = %scan3A_109 to %scan3A_111 step %scan3A_112 iter_args(%scan3A_116 = %scan3A_58, %scan3A_117 = %scan3A_59) -> (vector<16xf32>, vector<16xf32>)  : i32 {
        %mul3A_118 = arith.constant 16 : i32
        %mul3A_119 = arith.muli %scan3A_115, %mul3A_118 : i32
        %add3A_120 = vector.broadcast %mul3A_119 : i32 to vector<16xi32>
        %add3A_121 = arith.addi %add3A_120, %iota3A : vector<16xi32>
        %add3A_122 = vector.broadcast %mul3A_61 : i32 to vector<16xi32>
        %add3A_123 = arith.addi %add3A_122, %add3A_121 : vector<16xi32>
        %mul3A_124 = arith.constant 16 : i32
        %mul3A_125 = arith.muli %scan3A_115, %mul3A_124 : i32
        %get3A_126 = arith.index_cast %mul3A_125 : i32 to index
        %get3A_127 = tpu.vector_load %arg8[%get3A_126] {strides = array<i32>} : memref<3456xf32, #tpu.memory_space<vmem>>, vector<16xf32>,
        %get3A_128 = arith.index_cast %mul3A_125 : i32 to index
        %get3A_129 = tpu.vector_load %arg9[%get3A_128] {strides = array<i32>} : memref<3456xf32, #tpu.memory_space<vmem>>, vector<16xf32>,
        %get3A_130 = arith.index_cast %mul3A_125 : i32 to index
        %get3A_131 = tpu.vector_load %arg10[%get3A_130] {strides = array<i32>} : memref<3456xf32, #tpu.memory_space<vmem>>, vector<16xf32>,
        %get3A_132 = arith.index_cast %mul3A_125 : i32 to index
        %get3A_133 = tpu.vector_load %arg11[%get3A_132] {strides = array<i32>} : memref<3456xf32, #tpu.memory_space<vmem>>, vector<16xf32>,
        %mul3A_134 = arith.mulf %get3A_21, %get3A_127 : vector<16xf32>
        %add3A_135 = arith.addf %mul3A_134, %get3A_23 : vector<16xf32>
        %mul3A_136 = arith.mulf %get3A_21, %get3A_129 : vector<16xf32>
        %add3A_137 = arith.addf %mul3A_136, %get3A_25 : vector<16xf32>
        %mul3A_138 = arith.mulf %get3A_27, %get3A_131 : vector<16xf32>
        %add3A_139 = arith.addf %mul3A_138, %get3A_29 : vector<16xf32>
        %mul3A_140 = arith.mulf %get3A_27, %get3A_133 : vector<16xf32>
        %add3A_141 = arith.addf %mul3A_140, %get3A_31 : vector<16xf32>
        %add3A_142 = arith.constant 1.000000e+00 : f32
        %add3A_143 = vector.broadcast %add3A_142 : f32 to vector<16xf32>
        %add3A_144 = arith.addf %add3A_135, %add3A_143 : vector<16xf32>
        %mul3A_145 = arith.constant 2.240000e+02 : f32
        %mul3A_146 = vector.broadcast %mul3A_145 : f32 to vector<16xf32>
        %mul3A_147 = arith.mulf %add3A_144, %mul3A_146 : vector<16xf32>
        %sub3A_148 = arith.constant 1.000000e+00 : f32
        %sub3A_149 = vector.broadcast %sub3A_148 : f32 to vector<16xf32>
        %sub3A_150 = arith.subf %mul3A_147, %sub3A_149 : vector<16xf32>
        %mul3A_151 = arith.constant 5.000000e-01 : f32
        %mul3A_152 = vector.broadcast %mul3A_151 : f32 to vector<16xf32>
        %mul3A_153 = arith.mulf %sub3A_150, %mul3A_152 : vector<16xf32>
        %add3A_154 = arith.constant 1.000000e+00 : f32
        %add3A_155 = vector.broadcast %add3A_154 : f32 to vector<16xf32>
        %add3A_156 = arith.addf %add3A_137, %add3A_155 : vector<16xf32>
        %mul3A_157 = arith.constant 2.240000e+02 : f32
        %mul3A_158 = vector.broadcast %mul3A_157 : f32 to vector<16xf32>
        %mul3A_159 = arith.mulf %add3A_156, %mul3A_158 : vector<16xf32>
        %sub3A_160 = arith.constant 1.000000e+00 : f32
        %sub3A_161 = vector.broadcast %sub3A_160 : f32 to vector<16xf32>
        %sub3A_162 = arith.subf %mul3A_159, %sub3A_161 : vector<16xf32>
        %mul3A_163 = arith.constant 5.000000e-01 : f32
        %mul3A_164 = vector.broadcast %mul3A_163 : f32 to vector<16xf32>
        %mul3A_165 = arith.mulf %sub3A_162, %mul3A_164 : vector<16xf32>
        %convert_element_type3A = arith.fptosi %mul3A_153 : vector<16xf32> to vector<16xi32>
        %convert_element_type3A_166 = arith.sitofp %convert_element_type3A : vector<16xi32> to vector<16xf32>
        %lt3A = arith.cmpf olt, %mul3A_153, %convert_element_type3A_166 : vector<16xf32>
        %jit3A_167 = arith.constant 1 : i32
        %jit3A_168 = arith.constant 0 : i32
        %broadcast_in_dim3A_169 = vector.broadcast %jit3A_167 : i32 to vector<16xi32>
        %broadcast_in_dim3A_170 = vector.broadcast %jit3A_168 : i32 to vector<16xi32>
        %select_n3A_171 = arith.select %lt3A, %broadcast_in_dim3A_169, %broadcast_in_dim3A_170 : vector<16xi1>, vector<16xi32>
        %sub3A_172 = arith.subi %convert_element_type3A, %select_n3A_171 : vector<16xi32>
        %convert_element_type3A_173 = arith.sitofp %sub3A_172 : vector<16xi32> to vector<16xf32>
        %sub3A_174 = arith.subf %mul3A_153, %convert_element_type3A_173 : vector<16xf32>
        %and3A = arith.constant 1 : i32
        %and3A_175 = vector.broadcast %and3A : i32 to vector<16xi32>
        %and3A_176 = arith.andi %sub3A_172, %and3A_175 : vector<16xi32>
        %gt3A = arith.constant 5.000000e-01 : f32
        %gt3A_177 = vector.broadcast %gt3A : f32 to vector<16xf32>
        %gt3A_178 = arith.cmpf ogt, %sub3A_174, %gt3A_177 : vector<16xf32>
        %eq3A = arith.constant 5.000000e-01 : f32
        %eq3A_179 = vector.broadcast %eq3A : f32 to vector<16xf32>
        %eq3A_180 = arith.cmpf oeq, %sub3A_174, %eq3A_179 : vector<16xf32>
        %eq3A_181 = arith.constant 1 : i32
        %eq3A_182 = vector.broadcast %eq3A_181 : i32 to vector<16xi32>
        %eq3A_183 = arith.cmpi eq, %and3A_176, %eq3A_182 : vector<16xi32>
        %and3A_184 = arith.andi %eq3A_180, %eq3A_183 : vector<16xi1>
        %or3A = arith.ori %gt3A_178, %and3A_184 : vector<16xi1>
        %jit3A_185 = arith.constant 1 : i32
        %jit3A_186 = arith.constant 0 : i32
        %broadcast_in_dim3A_187 = vector.broadcast %jit3A_185 : i32 to vector<16xi32>
        %broadcast_in_dim3A_188 = vector.broadcast %jit3A_186 : i32 to vector<16xi32>
        %select_n3A_189 = arith.select %or3A, %broadcast_in_dim3A_187, %broadcast_in_dim3A_188 : vector<16xi1>, vector<16xi32>
        %add3A_190 = arith.addi %sub3A_172, %select_n3A_189 : vector<16xi32>
        %convert_element_type3A_191 = arith.fptosi %mul3A_165 : vector<16xf32> to vector<16xi32>
        %convert_element_type3A_192 = arith.sitofp %convert_element_type3A_191 : vector<16xi32> to vector<16xf32>
        %lt3A_193 = arith.cmpf olt, %mul3A_165, %convert_element_type3A_192 : vector<16xf32>
        %jit3A_194 = arith.constant 1 : i32
        %jit3A_195 = arith.constant 0 : i32
        %broadcast_in_dim3A_196 = vector.broadcast %jit3A_194 : i32 to vector<16xi32>
        %broadcast_in_dim3A_197 = vector.broadcast %jit3A_195 : i32 to vector<16xi32>
        %select_n3A_198 = arith.select %lt3A_193, %broadcast_in_dim3A_196, %broadcast_in_dim3A_197 : vector<16xi1>, vector<16xi32>
        %sub3A_199 = arith.subi %convert_element_type3A_191, %select_n3A_198 : vector<16xi32>
        %convert_element_type3A_200 = arith.sitofp %sub3A_199 : vector<16xi32> to vector<16xf32>
        %sub3A_201 = arith.subf %mul3A_165, %convert_element_type3A_200 : vector<16xf32>
        %and3A_202 = arith.constant 1 : i32
        %and3A_203 = vector.broadcast %and3A_202 : i32 to vector<16xi32>
        %and3A_204 = arith.andi %sub3A_199, %and3A_203 : vector<16xi32>
        %gt3A_205 = arith.constant 5.000000e-01 : f32
        %gt3A_206 = vector.broadcast %gt3A_205 : f32 to vector<16xf32>
        %gt3A_207 = arith.cmpf ogt, %sub3A_201, %gt3A_206 : vector<16xf32>
        %eq3A_208 = arith.constant 5.000000e-01 : f32
        %eq3A_209 = vector.broadcast %eq3A_208 : f32 to vector<16xf32>
        %eq3A_210 = arith.cmpf oeq, %sub3A_201, %eq3A_209 : vector<16xf32>
        %eq3A_211 = arith.constant 1 : i32
        %eq3A_212 = vector.broadcast %eq3A_211 : i32 to vector<16xi32>
        %eq3A_213 = arith.cmpi eq, %and3A_204, %eq3A_212 : vector<16xi32>
        %and3A_214 = arith.andi %eq3A_210, %eq3A_213 : vector<16xi1>
        %or3A_215 = arith.ori %gt3A_207, %and3A_214 : vector<16xi1>
        %jit3A_216 = arith.constant 1 : i32
        %jit3A_217 = arith.constant 0 : i32
        %broadcast_in_dim3A_218 = vector.broadcast %jit3A_216 : i32 to vector<16xi32>
        %broadcast_in_dim3A_219 = vector.broadcast %jit3A_217 : i32 to vector<16xi32>
        %select_n3A_220 = arith.select %or3A_215, %broadcast_in_dim3A_218, %broadcast_in_dim3A_219 : vector<16xi1>, vector<16xi32>
        %add3A_221 = arith.addi %sub3A_199, %select_n3A_220 : vector<16xi32>
        %ge3A = arith.constant 0 : i32
        %ge3A_222 = vector.broadcast %ge3A : i32 to vector<16xi32>
        %ge3A_223 = arith.cmpi sge, %add3A_190, %ge3A_222 : vector<16xi32>
        %lt3A_224 = arith.constant 224 : i32
        %lt3A_225 = vector.broadcast %lt3A_224 : i32 to vector<16xi32>
        %lt3A_226 = arith.cmpi slt, %add3A_190, %lt3A_225 : vector<16xi32>
        %and3A_227 = arith.andi %ge3A_223, %lt3A_226 : vector<16xi1>
        %ge3A_228 = arith.constant 0 : i32
        %ge3A_229 = vector.broadcast %ge3A_228 : i32 to vector<16xi32>
        %ge3A_230 = arith.cmpi sge, %add3A_221, %ge3A_229 : vector<16xi32>
        %and3A_231 = arith.andi %and3A_227, %ge3A_230 : vector<16xi1>
        %lt3A_232 = arith.constant 224 : i32
        %lt3A_233 = vector.broadcast %lt3A_232 : i32 to vector<16xi32>
        %lt3A_234 = arith.cmpi slt, %add3A_221, %lt3A_233 : vector<16xi32>
        %and3A_235 = arith.andi %and3A_231, %lt3A_234 : vector<16xi1>
        %jit3A_236 = arith.constant 0 : i32
        %jit3A_237 = arith.constant 223 : i32
        %max3A_238 = vector.broadcast %jit3A_236 : i32 to vector<16xi32>
        %max3A_239 = arith.maxsi %max3A_238, %add3A_190 : vector<16xi32>
        %min3A = vector.broadcast %jit3A_237 : i32 to vector<16xi32>
        %min3A_240 = arith.minsi %min3A, %max3A_239 : vector<16xi32>
        %jit3A_241 = arith.constant 0 : i32
        %jit3A_242 = arith.constant 223 : i32
        %max3A_243 = vector.broadcast %jit3A_241 : i32 to vector<16xi32>
        %max3A_244 = arith.maxsi %max3A_243, %add3A_221 : vector<16xi32>
        %min3A_245 = vector.broadcast %jit3A_242 : i32 to vector<16xi32>
        %min3A_246 = arith.minsi %min3A_245, %max3A_244 : vector<16xi32>
        %mul3A_247 = arith.constant 448 : i32
        %mul3A_248 = vector.broadcast %mul3A_247 : i32 to vector<16xi32>
        %mul3A_249 = arith.muli %min3A_246, %mul3A_248 : vector<16xi32>
        %add3A_250 = arith.addi %mul3A_249, %min3A_240 : vector<16xi32>
        %gather3A = tpu.vector_load_idx %arg7[%add3A_250] : memref<100352xf32, #tpu.memory_space<vmem>>[vector<16xi32>], vector<16xf32>,
        %add3A_251 = arith.constant 224 : i32
        %add3A_252 = vector.broadcast %add3A_251 : i32 to vector<16xi32>
        %add3A_253 = arith.addi %add3A_250, %add3A_252 : vector<16xi32>
        %gather3A_254 = tpu.vector_load_idx %arg7[%add3A_253] : memref<100352xf32, #tpu.memory_space<vmem>>[vector<16xi32>], vector<16xf32>,
        %jit3A_255 = arith.constant 1.000000e+00 : f32
        %jit3A_256 = arith.constant 0.000000e+00 : f32
        %broadcast_in_dim3A_257 = vector.broadcast %jit3A_255 : f32 to vector<16xf32>
        %broadcast_in_dim3A_258 = vector.broadcast %jit3A_256 : f32 to vector<16xf32>
        %select_n3A_259 = arith.select %and3A_235, %broadcast_in_dim3A_257, %broadcast_in_dim3A_258 : vector<16xi1>, vector<16xf32>
        %mul3A_260 = arith.mulf %gather3A, %select_n3A_259 : vector<16xf32>
        %mul3A_261 = arith.mulf %gather3A_254, %select_n3A_259 : vector<16xf32>
        %get3A_262 = arith.index_cast %mul3A_125 : i32 to index
        %get3A_263 = tpu.vector_load %arg12[%get3A_262] {strides = array<i32>} : memref<3456xf32, #tpu.memory_space<vmem>>, vector<16xf32>,
        %get3A_264 = arith.index_cast %mul3A_125 : i32 to index
        %get3A_265 = tpu.vector_load %arg13[%get3A_264] {strides = array<i32>} : memref<3456xf32, #tpu.memory_space<vmem>>, vector<16xf32>,
        %add3A_266 = arith.addf %get3A_263, %get3A_265 : vector<16xf32>
        %abs3A = math.absf %mul3A_260 : vector<16xf32>
        %abs3A_267 = math.absf %mul3A_261 : vector<16xf32>
        %add3A_268 = arith.addf %abs3A, %abs3A_267 : vector<16xf32>
        %ne3A_269 = arith.constant 0.000000e+00 : f32
        %ne3A_270 = vector.broadcast %ne3A_269 : f32 to vector<16xf32>
        %ne3A_271 = arith.cmpf one, %add3A_268, %ne3A_270 : vector<16xf32>
        %gt3A_272 = arith.constant 0.000000e+00 : f32
        %gt3A_273 = vector.broadcast %gt3A_272 : f32 to vector<16xf32>
        %gt3A_274 = arith.cmpf ogt, %add3A_266, %gt3A_273 : vector<16xf32>
        %and3A_275 = arith.andi %ne3A_271, %gt3A_274 : vector<16xi1>
        %lt3A_276 = arith.constant 6890 : i32
        %lt3A_277 = vector.broadcast %lt3A_276 : i32 to vector<16xi32>
        %lt3A_278 = arith.cmpi slt, %add3A_123, %lt3A_277 : vector<16xi32>
        %and3A_279 = arith.andi %and3A_275, %lt3A_278 : vector<16xi1>
        %jit3A_280 = arith.constant 1.000000e+00 : f32
        %jit3A_281 = arith.constant 0.000000e+00 : f32
        %broadcast_in_dim3A_282 = vector.broadcast %jit3A_280 : f32 to vector<16xf32>
        %broadcast_in_dim3A_283 = vector.broadcast %jit3A_281 : f32 to vector<16xf32>
        %select_n3A_284 = arith.select %and3A_279, %broadcast_in_dim3A_282, %broadcast_in_dim3A_283 : vector<16xi1>, vector<16xf32>
        %mul3A_285 = vector.broadcast %select_n3A : f32 to vector<16xf32>
        %mul3A_286 = arith.mulf %select_n3A_284, %mul3A_285 : vector<16xf32>
        %add3A_287 = arith.constant 1.000000e+00 : f32
        %add3A_288 = vector.broadcast %add3A_287 : f32 to vector<16xf32>
        %add3A_289 = arith.addf %add3A_135, %add3A_288 : vector<16xf32>
        %mul3A_290 = arith.constant 1.120000e+02 : f32
        %mul3A_291 = vector.broadcast %mul3A_290 : f32 to vector<16xf32>
        %mul3A_292 = arith.mulf %add3A_289, %mul3A_291 : vector<16xf32>
        %add3A_293 = arith.constant 1.000000e+00 : f32
        %add3A_294 = vector.broadcast %add3A_293 : f32 to vector<16xf32>
        %add3A_295 = arith.addf %add3A_137, %add3A_294 : vector<16xf32>
        %mul3A_296 = arith.constant 1.120000e+02 : f32
        %mul3A_297 = vector.broadcast %mul3A_296 : f32 to vector<16xf32>
        %mul3A_298 = arith.mulf %add3A_295, %mul3A_297 : vector<16xf32>
        %add3A_299 = arith.constant 1.000000e+00 : f32
        %add3A_300 = vector.broadcast %add3A_299 : f32 to vector<16xf32>
        %add3A_301 = arith.addf %add3A_139, %add3A_300 : vector<16xf32>
        %mul3A_302 = arith.constant 1.120000e+02 : f32
        %mul3A_303 = vector.broadcast %mul3A_302 : f32 to vector<16xf32>
        %mul3A_304 = arith.mulf %add3A_301, %mul3A_303 : vector<16xf32>
        %add3A_305 = arith.constant 1.000000e+00 : f32
        %add3A_306 = vector.broadcast %add3A_305 : f32 to vector<16xf32>
        %add3A_307 = arith.addf %add3A_141, %add3A_306 : vector<16xf32>
        %mul3A_308 = arith.constant 1.120000e+02 : f32
        %mul3A_309 = vector.broadcast %mul3A_308 : f32 to vector<16xf32>
        %mul3A_310 = arith.mulf %add3A_307, %mul3A_309 : vector<16xf32>
        %sub3A_311 = arith.subf %mul3A_304, %mul3A_292 : vector<16xf32>
        %sub3A_312 = arith.subf %mul3A_310, %mul3A_298 : vector<16xf32>
        %mul3A_313 = arith.mulf %mul3A_286, %mul3A_260 : vector<16xf32>
        %mul3A_314 = arith.mulf %mul3A_286, %sub3A_311 : vector<16xf32>
        %sub3A_315 = arith.subf %mul3A_313, %mul3A_314 : vector<16xf32>
        %abs3A_316 = math.absf %sub3A_315 : vector<16xf32>
        %add3A_317 = arith.addf %scan3A_116, %abs3A_316 : vector<16xf32>
        %mul3A_318 = arith.mulf %mul3A_286, %mul3A_261 : vector<16xf32>
        %mul3A_319 = arith.mulf %mul3A_286, %sub3A_312 : vector<16xf32>
        %sub3A_320 = arith.subf %mul3A_318, %mul3A_319 : vector<16xf32>
        %abs3A_321 = math.absf %sub3A_320 : vector<16xf32>
        %add3A_322 = arith.addf %add3A_317, %abs3A_321 : vector<16xf32>
        %add3A_323 = arith.addf %scan3A_117, %mul3A_286 : vector<16xf32>
        scf.yield %add3A_322, %add3A_323 : vector<16xf32>, vector<16xf32>
      }
      %scan3A_114 = arith.constant 216 : i32
      scf.yield %scan3A_113#0, %scan3A_113#1 : vector<16xf32>, vector<16xf32>
    }
    %scan3A_39 = arith.constant 2 : i32
    %reduce_sum3A = arith.constant true
    %reduce_sum3A_40 = vector.broadcast %reduce_sum3A : i1 to vector<16xi1>
    %reduce_sum3A_41 = tpu.scan <sum>, %scan3A_38#0 masked %reduce_sum3A_40 : vector<16xf32>, vector<16xi1> -> vector<16xf32>
    %reduce_sum3A_42 = vector.extract %reduce_sum3A_41[15] : f32 from vector<16xf32>
    %reduce_sum3A_43 = arith.constant true
    %reduce_sum3A_44 = vector.broadcast %reduce_sum3A_43 : i1 to vector<16xi1>
    %reduce_sum3A_45 = tpu.scan <sum>, %scan3A_38#1 masked %reduce_sum3A_44 : vector<16xf32>, vector<16xi1> -> vector<16xf32>
    %reduce_sum3A_46 = vector.extract %reduce_sum3A_45[15] : f32 from vector<16xf32>
    %broadcast_in_dim3A_47 = vector.broadcast %reduce_sum3A_42 : f32 to vector<16xf32>
    %broadcast_in_dim3A_48 = vector.broadcast %reduce_sum3A_46 : f32 to vector<16xf32>
    %div3A_49 = arith.constant 2.240000e+02 : f32
    %div3A_50 = vector.broadcast %div3A_49 : f32 to vector<16xf32>
    %div3A_51 = arith.divf %broadcast_in_dim3A_47, %div3A_50 : vector<16xf32>
    %add3A_52 = arith.constant 1.000000e+00 : f32
    %add3A_53 = vector.broadcast %add3A_52 : f32 to vector<16xf32>
    %add3A_54 = arith.addf %broadcast_in_dim3A_48, %add3A_53 : vector<16xf32>
    %div3A_55 = arith.divf %div3A_51, %add3A_54 : vector<16xf32>
    %swap3A = arith.constant 0 : index
    %swap3A_56 = tpu.vector_load %arg16[%swap3A] {strides = array<i32>} : memref<16xf32, #tpu.memory_space<vmem>>, vector<16xf32>,
    tpu.vector_store %arg16[%swap3A], %div3A_55 {strides = array<i32>} : memref<16xf32, #tpu.memory_space<vmem>>, vector<16xf32>,
    "tpu.region"() ({
      %run_scoped3A = tpu.sem_alloc : memref<!tpu.dma_semaphore, #tpu.memory_space<semaphore_mem>>
      %dma_start3A = arith.constant 0 : i32
      %dma_start3A_57 = tpu.memref_slice %arg6[%add3A, %dma_start3A] : memref<32x16xf32, #tpu.memory_space<hbm>> -> memref<1x16xf32, #tpu.memory_space<hbm>>
      %dma_start3A_58 = tpu.memref_squeeze %dma_start3A_57 : memref<1x16xf32, #tpu.memory_space<hbm>> -> memref<16xf32, #tpu.memory_space<hbm>>
      %dma_start3A_59 = arith.constant 0 : i32
      %dma_start3A_60 = tpu.memref_slice %arg6[%add3A, %dma_start3A_59] : memref<32x16xf32, #tpu.memory_space<hbm>> -> memref<1x16xf32, #tpu.memory_space<hbm>>
      %dma_start3A_61 = tpu.memref_squeeze %dma_start3A_60 : memref<1x16xf32, #tpu.memory_space<hbm>> -> memref<16xf32, #tpu.memory_space<hbm>>
      tpu.enqueue_dma source(%arg16 : memref<16xf32, #tpu.memory_space<vmem>>) target(%dma_start3A_61 : memref<16xf32, #tpu.memory_space<hbm>>) target_semaphore(%run_scoped3A : memref<!tpu.dma_semaphore, #tpu.memory_space<semaphore_mem>>)
      %dma_wait3A = arith.constant 0 : i32
      %dma_wait3A_62 = tpu.memref_slice %arg6[%add3A, %dma_wait3A] : memref<32x16xf32, #tpu.memory_space<hbm>> -> memref<1x16xf32, #tpu.memory_space<hbm>>
      %dma_wait3A_63 = tpu.memref_squeeze %dma_wait3A_62 : memref<1x16xf32, #tpu.memory_space<hbm>> -> memref<16xf32, #tpu.memory_space<hbm>>
      %dma_wait3A_64 = arith.constant 0 : i32
      %dma_wait3A_65 = tpu.memref_slice %arg6[%add3A, %dma_wait3A_64] : memref<32x16xf32, #tpu.memory_space<hbm>> -> memref<1x16xf32, #tpu.memory_space<hbm>>
      %dma_wait3A_66 = tpu.memref_squeeze %dma_wait3A_65 : memref<1x16xf32, #tpu.memory_space<hbm>> -> memref<16xf32, #tpu.memory_space<hbm>>
      tpu.wait_dma2 semaphore(%run_scoped3A : memref<!tpu.dma_semaphore, #tpu.memory_space<semaphore_mem>>) src(%arg16 : memref<16xf32, #tpu.memory_space<vmem>>) dst(%dma_wait3A_66 : memref<16xf32, #tpu.memory_space<hbm>>)
      tpu.yield
    }) : () -> ()
    return
  }
}

</mosaic_0001>

<sc_bundles>
// kernel: _impl.4.cloned.1.call-start
scs
__scs_entry_jumppad:
0x0: {  	(pc) =	sbr.rel $0x88, $3  }
0x1: {  	(tag) =	ssettag $0x0;
	lr =	simm.s32 $0x1  }
0x2: {  	[smem:$0x3F9C] =	sst lr;
	_ =	strace $0xD0000000  }
0x3: {  	_ = 	snop  }
0x4: {  	_ = 	snop  }
0x5: {  	_ = 	snop  }
0x6: {  	_ = 	snop  }
0x7: {  	_ = 	snop  }
__scs_overlays_trampoline_lowered:
0x8: {  	[smem:$0x3FAB] =	sst s0  }
0x9: {  	[smem:$0x3FAC] =	sst s1  }
0xa: {  	[smem:$0x3FAD] =	sst s2  }
0xb: {  	[smem:$0x3FAE] =	sst s3  }
0xc: {  	[smem:$0x3FAF] =	sst s4  }
0xd: {  	[smem:$0x3FB0] =	sst s5  }
0xe: {  	[smem:$0x3FB1] =	sst s6  }
0xf: {  	[smem:$0x3FB2] =	sst s7  }
0x10: {  	[smem:$0x3FB3] =	sst s8  }
0x11: {  	[smem:$0x3FB4] =	sst s9;
	s0 =	simm.s32 @!p0 $0x0  }
0x12: {  	s1 =	sld [smem:$0x3F9A];
	s0 =	simm.s32 @p0 $0x1  }
0x13: {  	[smem:$0x3FB5] =	sst s0;
	s0 =	simm.s32 @!p1 $0x0  }
0x14: {  	s2 =	sld [smem:$0x3F99];
	s0 =	simm.s32 @p1 $0x1  }
0x15: {  	[smem:$0x3FB6] =	sst s0;
	s0 =	simm.s32 @!p2 $0x0  }
0x16: {  	s3 =	sld [smem:$0x3FDB];
	s0 =	simm.s32 @p2 $0x1  }
0x17: {  	s4 =	simm.s32 $0x1BF5;
	[smem:$0x3FB8] =	sst s0  }
0x18: {  	s0 =	sld [smem:$0x3F9B];
	_ =	swait.ge [sflag:s4], $0x0  }
0x19: {  	s7 =	sld [smem:$0x3F9C]  }
0x1a: {  	s8 =	sadd.s32 $0xFFFFE003, lr  }
0x1b: {  	s9 =	sadd.s32 $0xFFFFFEF7, lr;
	s5 =	simm.s32 $0xFFFFFFFF;
	p2 =	slt.u32 s8, $0xFFFFF086  }
0x1c: {  	p1 =	slt.u32 s9, $0xF7A;
	s5 =	simm.s32 @!p2 $0x0  }
0x1d: {  	s5 =	simm.s32 @p1 $0x1;
	p0 =	seq.s32 s7, s2  }
0x1e: {  	s7 =	smul.u32 @!p0 $0xF7A, s2;
	p2 =	seq.s32 @!p0 s5, $0x0  }
0x1f: {  	s9 =	smul.u32 $0xF7A, s1;
	s8 =	simm.s32 @!p0 $0x1BF5;
	p2 =	por !p2, p0  }
0x20: {  	[sflag:s8] =	ssyncset.s32 @!p0 $0xFFFFF086;
	s6 =	sadd.s32 @!p0 s3, s7;
	s7 =	simm.s32 @!p0 $0x108  }
0x21: {  	s3 =	sadd.s32 s3, s9;
	s6 =	sadd.s32 @!p0 $0x88, s6;
	s7 =	simm.s32 @p2 $0x1082  }
0x22: {  	[simem:s7], [sflag:s8] =	dma.local @!p0 [hbm:s6], $0xF7A  }
0x23: {  	s9 =	sor.u32 $0xD0000000, s2;
	s6 =	simm.s32 $0x108;
	_ =	swait.ge @!p0 [sflag:s8], $0x0  }
0x24: {  	s3 =	sadd.s32 $0x88, s3;
	s6 =	simm.s32 @!p1 $0x1082;
	[sflag:s4] =	ssyncset.s32 $0xFFFFF086  }
0x25: {  	[simem:s6], [sflag:s4] =	dma.local [hbm:s3], $0xF7A  }
0x26: {  	[smem:$0x3F9C] =	sst s1;
	(tag) =	ssettag s2;
	_ =	strace s9  }
0x27: {  	s1 =	sld [smem:$0x3FAC]  }
0x28: {  	s2 =	sld [smem:$0x3FAD]  }
0x29: {  	s4 =	sld [smem:$0x3FAF]  }
0x2a: {  	p0 =	seq.s32 s5, $0x0;
	s5 =	sld [smem:$0x3FB0]  }
0x2b: {  	s6 =	sld [smem:$0x3FB1]  }
0x2c: {  	s7 =	sld [smem:$0x3FB2]  }
0x2d: {  	s3 =	simm.s32 $0x108;
	s8 =	sld [smem:$0x3FB3]  }
0x2e: {  	s3 =	simm.s32 @!p0 $0x1082;
	s9 =	sld [smem:$0x3FB4]  }
0x2f: {  	lr =	sadd.s32 s0, s3;
	s0 =	sld [smem:$0x3FAB]  }
0x30: {  	s3 =	sld [smem:$0x3FAE]  }
0x31: {  	[smem:$0x3FB7] =	sst s10  }
0x32: {  	s10 =	sld [smem:$0x3FB5];
	_ =	sdelay $0x3  }
0x33: {  	p0 =	seq.s32 s10, $0x1;
	s10 =	sld [smem:$0x3FB7];
	_ =	sdelay $0x3  }
0x34: {  	[smem:$0x3FB7] =	sst s10  }
0x35: {  	s10 =	sld [smem:$0x3FB6];
	_ =	sdelay $0x3  }
0x36: {  	p1 =	seq.s32 s10, $0x1;
	s10 =	sld [smem:$0x3FB7];
	_ =	sdelay $0x3  }
0x37: {  	[smem:$0x3FB7] =	sst s10  }
0x38: {  	s10 =	sld [smem:$0x3FB8]  }
0x39: {  	_ = 	snop;
	(pc) =	sbr.ind lr, $3  }
0x3a: {  	_ = 	snop  }
0x3b: {  	_ = 	snop  }
0x3c: {  	p2 =	seq.s32 s10, $0x1;
	s10 =	sld [smem:$0x3FB7]  }
0x3d: {  	_ =	shalt  }
0x3e: {  	_ =	shalt  }
0x3f: {  	_ =	shalt  }
0x40: {  	_ =	shalt  }
0x41: {  	_ =	shalt  }
0x42: {  	_ =	shalt  }
0x43: {  	_ =	shalt  }
0x44: {  	_ =	shalt  }
0x45: {  	_ =	shalt  }
0x46: {  	_ =	shalt  }
0x47: {  	_ =	shalt  }
0x48: {  	_ =	shalt  }
0x49: {  	_ =	shalt  }
0x4a: {  	_ =	shalt  }
0x4b: {  	_ =	shalt  }
0x4c: {  	_ =	shalt  }
0x4d: {  	_ =	shalt  }
0x4e: {  	_ =	shalt  }
0x4f: {  	_ =	shalt  }
0x50: {  	_ =	shalt  }
0x51: {  	_ =	shalt  }
0x52: {  	_ =	shalt  }
0x53: {  	_ =	shalt  }
0x54: {  	_ =	shalt  }
0x55: {  	_ =	shalt  }
0x56: {  	_ =	shalt  }
0x57: {  	_ =	shalt  }
0x58: {  	_ =	shalt  }
0x59: {  	_ =	shalt  }
0x5a: {  	_ =	shalt  }
0x5b: {  	_ =	shalt  }
0x5c: {  	_ =	shalt  }
0x5d: {  	_ =	shalt  }
0x5e: {  	_ =	shalt  }
0x5f: {  	_ =	shalt  }
0x60: {  	_ =	shalt  }
0x61: {  	_ =	shalt  }
0x62: {  	_ =	shalt  }
0x63: {  	_ =	shalt  }
0x64: {  	_ =	shalt  }
0x65: {  	_ =	shalt  }
0x66: {  	_ =	shalt  }
0x67: {  	_ =	shalt  }
0x68: {  	_ =	shalt  }
0x69: {  	_ =	shalt  }
0x6a: {  	_ =	shalt  }
0x6b: {  	_ =	shalt  }
0x6c: {  	_ =	shalt  }
0x6d: {  	_ =	shalt  }
0x6e: {  	_ =	shalt  }
0x6f: {  	_ =	shalt  }
0x70: {  	_ =	shalt  }
0x71: {  	_ =	shalt  }
0x72: {  	_ =	shalt  }
0x73: {  	_ =	shalt  }
0x74: {  	_ =	shalt  }
0x75: {  	_ =	shalt  }
0x76: {  	_ =	shalt  }
0x77: {  	_ =	shalt  }
0x78: {  	_ =	shalt  }
0x79: {  	_ =	shalt  }
0x7a: {  	_ =	shalt  }
0x7b: {  	_ =	shalt  }
0x7c: {  	_ =	shalt  }
0x7d: {  	_ =	shalt  }
0x7e: {  	_ =	shalt  }
0x7f: {  	_ =	shalt  }
0x80: {  	_ =	shalt  }
0x81: {  	_ =	shalt  }
0x82: {  	_ =	shalt  }
0x83: {  	_ =	shalt  }
0x84: {  	_ =	shalt  }
0x85: {  	_ =	shalt  }
0x86: {  	_ =	shalt  }
0x87: {  	_ =	shalt  }
.Lfunc_end0:
.L_simem_size_0:
called_computation_lowered:
.L_overlay_start_0:
0x88: {  	s2 =	sld [smem:$0x3FD9]  }
0x89: {  	s3 =	sld [smem:$0x3FFE];
	_ =	sdelay $0x1  }
0x8a: {  	s1 =	srdreg.scid  }
0x8b: {  	s0 =	sand.u32 $0x1, s1  }
0x8c: {  	s16 =	sshll.u32 s0, $0xA;
	s2 =	sadd.s32 s3, s2  }
0x8d: {  	s2 =	sadd.s32 s2, s16  }
0x8e: {  	[smem:$0x3FC3] =	sst s2  }
0x8f: {  	_ = 	snop  }
0x90: {  	(tm) =	ssettm $0x1  }
0x91: {  	s17 =	sld [smem:$0x3FFB];
	_ =	sdelay $0x3  }
0x92: {  	_ =	strace s17  }
0x93: {  	s2 =	sld [smem:$0x3FFC];
	_ =	sdelay $0x3  }
0x94: {  	_ =	strace s2  }
0x95: {  	s2 =	sld [smem:$0x3FFD];
	_ =	sdelay $0x3  }
0x96: {  	_ =	strace s2  }
0x97: {  	_ =	strace $0x8FFFFFFF  }
0x98: {  	s18 =	sld [smem:$0x3FDB];
	_ =	sdelay $0x1  }
0x99: {  	s19 =	simm.s32 $_scs_section_size  }
0x9a: {  	s4 =	simm.s32 $_size__tile_overlayer_lowered;
	s5 =	simm.s32 $_tile_overlayer_lowered  }
0x9b: {  	s22 =	simm.s32 $0x1BFF;
	s21 =	sshll.u32 s5, $0x1;
	s2 =	sadd.s32 s19, s18  }
0x9c: {  	s6 =	simm.s32 $0x0;
	s20 =	sshll.u32 s4, $0x1;
	s4 =	sadd.s32 s21, s2  }
0x9d: {  	[timem:s6], [sflag:s22] =	dma.local [hbm:s4], s20  }
0x9e: {  	_ =	swait.ge [sflag:s22], s20  }
0x9f: {  	s3 =	ssub.s32 $0x0, s20;
	[sflag:s22] =	ssyncset.done $0x0  }
0xa0: {  	[sflag:s22] =	ssyncadd.s32 s3;
	_ =	sdelay $0x1  }
0xa1: {  	s23 =	simm.s32 $0x1B8B  }
0xa2: {  	_ =	swait.ge [sflag:s23], $0x1  }
0xa3: {  	[sflag:s23] =	ssyncset.done $0x0  }
0xa4: {  	s25 =	simm.s32 $0x1B8E;
	s24 =	sld [smem:$0x3FFE];
	[sflag:s23] =	ssyncadd.s32 $0xFFFFFFFF  }
0xa5: {  	s26 =	simm.s32 $execute0_lowered;
	[smem:$0x3FD2] =	sst s25  }
0xa6: {  	s4 =	sshll.u32 s26, $0x1;
	_ =	strace $0x80000046;
	[dreg:$0x1] =	wrdreg $0xFFFFFFFF  }
0xa7: {  	s28 =	simm.s32 $_size_execute0_lowered;
	s2 =	sadd.s32 s2, s4;
	[dreg:$0x0] =	wrdreg $0x0  }
0xa8: {  	s4 =	sshll.u32 s28, $0x1;
	[dreg:$0x2] =	wrdreg s2  }
0xa9: {  	[dreg:$0x3] =	wrdreg s4  }
0xaa: {  	[dreg:$0x4] =	wrdreg $0xC0  }
0xab: {  	_ =	task [dreg:s6], $0x5FFFF  }
0xac: {  	[dreg:$0x1] =	wrdreg $0xFFFFFFFF  }
0xad: {  	[dreg:$0x0] =	wrdreg $0x60  }
0xae: {  	[dreg:$0x2] =	wrdreg s24  }
0xaf: {  	[dreg:$0x3] =	wrdreg $0x104000  }
0xb0: {  	[dreg:$0x4] =	wrdreg $0x16FA00  }
0xb1: {  	[dreg:$0x5] =	wrdreg $0x9  }
0xb2: {  	_ =	task.clear_ibuf [dreg:s6], $0x6FFFF;
	_ =	strace $0x90000046  }
0xb3: {  	s29 =	simm.s32 $0x9;
	_ =	strace $0x80000048  }
0xb4: {  	_ =	swait.ge [sflag:s29], $0x1  }
0xb5: {  	[sflag:s29] =	ssyncadd.s32 $0xFFFFFFFF  }
0xb6: {  	_ =	strace $0x90000048  }
0xb7: {  	_ =	sfence  }
0xb8: {  	s30 =	sld [smem:$0x0];
	_ =	sdelay $0x2  }
0xb9: {  	s31 =	sshll.u32 s1, $0xD;
	s1 =	sshrl.u32 s1, $0x2  }
0xba: {  	s3 =	sand.u32 $0x4000, s31;
	s1 =	sadd.s32 s1, s30  }
0xbb: {  	s0 =	sor.u32 s3, s0;
	s1 =	sshll.u32 s1, $0x11  }
0xbc: {  	s0 =	sor.u32 s1, s0  }
0xbd: {  	s0 =	sadd.s32 $0x8F2B, s0  }
0xbe: {  	[sflag:s0] =	ssyncadd.remote.s32 $0x1  }
0xbf: {  	_ =	sfence.sel $0xFFFF  }
0xc0: {  	[dreg:$0x0] =	wrdreg $0xFFFFFFFF;
	(pc) =	sbr.abs _section_cstart, $3  }
0xc1: {  	[dreg:$0x1] =	wrdreg $0xFFFFFFFF  }
0xc2: {  	_ =	task.clear_ibuf [dreg:s6], $0x2FFFF;
	_ =	strace $0x9FFFFFFF  }
0xc3: {  	(tm) =	ssettm $0x7FFFFFFF  }
tec
execute0_lowered:
.L_overlay_start_1:
0x0: {  	(tag) =	ssettag $0x1  }
0x1: {  	s1 =	rddreg [dreg:$0x0]  }
0x2: {  	s0 =	srdreg.scid;
	s2 =	rddreg [dreg:$0x1]  }
0x3: {  	s18 =	rddreg [dreg:$0x2];
	s4 =	sand.u32 $0x1, s0  }
0x4: {  	s3 =	simm.s32 $0x0;
	s0 =	stileid.u32;
	s5 =	smul.u32 $0xC4000, s4  }
0x5: {  	s28 =	simm.s32 $0x20;
	s29 =	simm.s32 $0x10;
	s6 =	smul.u32 $0xC400, s0  }
0x6: {  	s30 =	simm.s32 $0x0;
	[smem:$0x7FF] =	sst s3;
	s14 =	smul.u32 $0x6C00, s0  }
0x7: {  	s20 =	sadd.s32 $0x32400, s1;
	s7 =	sshll.u32 s4, $0x7;
	s16 =	smul.u32 $0x1AE80, s0  }
0x8: {  	_ =	strace $0x80000047;
	s4 =	ssub.s32 $0x2, s4;
	s19 =	smul.u32 $0xD800, s0  }
0x9: {  	s8 =	sshrl.u32 s0, $0x2;
	s22 =	sshll.u32 s0, $0x1;
	s17 =	sshrl.u32 s4, $0x1  }
0xa: {  	s11 =	smul.u32 $0x18, s8;
	s10 =	sand.u32 $0x6, s22;
	s5 =	sadd.s32 s6, s5  }
0xb: {  	s15 =	sor.u32 s7, s14;
	s6 =	sshrl.u32 s16, $0x2;
	s9 =	ssub.s32 s4, s17  }
0xc: {  	s21 =	sshrl.u32 s19, $0x2;
	s17 =	sshllo.u32 s0, $0x1;
	s5 =	sshrl.u32 s5, $0x3  }
0xd: {  	s4 =	sadd.s32 s6, s2;
	s6 =	sadd.s32 s21, s18;
	s14 =	sadd.s32 $0x8, s11  }
0xe: {  	s23 =	sor.u32 s11, s10;
	s8 =	smax.u32 s9, $0x1;
	s21 =	sand.u32 $0x7, s17  }
0xf: {  	s22 =	smul.u32 $0xD740, s17;
	s12 =	sadd.s32 s5, s1;
	s5 =	sshrl.u32 s15, $0x3  }
0x10: {  	s15 =	sadd.s32 $0x10, s11;
	s24 =	sor.u32 s14, s10;
	s13 =	sor.u32 s11, s21  }
0x11: {  	s25 =	sor.u32 s14, s21;
	s1 =	sadd.s32 s5, s1;
	s5 =	sadd.s32 $0x3600, s4  }
0x12: {  	s16 =	smul.u32 $0x6BA, s24;
	s10 =	sor.u32 s15, s10;
	s9 =	sadd.s32 $0x1400, s12  }
0x13: {  	s11 =	sadd.s32 $0x2040, s12;
	s24 =	smul.u32 $0x6BA, s25;
	s26 =	sor.u32 s15, s21  }
0x14: {  	s31 =	sshrl.u32 s22, $0x2;
	s7 =	sadd.s32 $0x5AA00, s1;
	s1 =	smul.u32 $0x6BA, s23  }
0x15: {  	s22 =	simm.s32 $0x1;
	s25 =	simm.s32 $0x6200;
	s19 =	smul.u32 $0x6BA, s10  }
0x16: {  	s10 =	sadd.s32 $0x1A20, s12;
	s12 =	sadd.s32 $0x2660, s12;
	s23 =	smul.u32 $0x6BA, s13  }
0x17: {  	s21 =	smul.u32 $0x6BA, s26;
	s26 =	simm.s32 $0x35D0;
	s14 =	sadd.s32 s20, s16  }
0x18: {  	s16 =	sadd.s32 s31, s2;
	s13 =	sadd.s32 s20, s1;
	s1 =	smul.u32 $0x6C00, s17  }
0x19: {  	s15 =	sadd.s32 s20, s19;
	s17 =	sadd.s32 s20, s23;
	s19 =	sadd.s32 s20, s24  }
0x1a: {  	s20 =	sadd.s32 s20, s21;
	s21 =	simm.s32 $0xCE00;
	s1 =	sshrl.u32 s1, $0x2  }
0x1b: {  	v0 =	vimm.f32 $0.0e+00;
	v1 =	vimm.f32 $1.000000000e+00;
	s23 =	simm.s32 $0x3100;
	s24 =	simm.s32 $0x9800;
	s18 =	sadd.s32 s1, s18  }
.LBB2_1:
0x1c: {  	s1 =	simm.s32 $0x0  }
.LBB2_2:
0x1d: {  	p0 =	sne.s32 s1, $0xD7C0  }
.Ltmp0:
0x1e: {  	_ = 	snop;
	(pc) =	sbr.rel @p0 .LBB2_2-.Ltmp0, $3  }
0x1f: {  	_ =	sdelay $0x1  }
0x20: {  	s31 =	sshra.s32 s1, $0x2  }
0x21: {  	s1 =	sadd.s32 $0x40, s1;
	[tilespmem:s31+$0xCE00] =	vst v0  }
0x22: {  	s31 =	simm.s32 $0x40;
	s1 =	simm.s32 $0x0  }
.LBB2_4:
0x23: {  	p0 =	sne.s32 s31, $0xC3C0;
	[tilespmem:s1+$0x3100] =	vst v1;
	s1 =	smov.u32 s31;
	s31 =	sadd.s32 $0x40, s31  }
.Ltmp1:
0x24: {  	(pc) =	sbr.rel @p0 .LBB2_4-.Ltmp1, $2  }
0x25: {  	_ =	sdelay $0x2  }
0x26: {  	s1 =	sshra.s32 s1, $0x2  }
0x27: {  	[tilespmem:s1+$0x3100] =	vst v1  }
0x28: {  	[spmem:s4] =	stream.linear.scatter [tilespmem:s21], [sflag:$0x1], $0x3600, $0x38;
	[tilespmem:$0x1A5A0] =	vst v63  }
0x29: {  	_ =	swait.ge [sflag:s22], $0x3600  }
0x2a: {  	[sflag:s22] =	ssyncset.done $0x0  }
0x2b: {  	[sflag:s22] =	ssyncadd.s32 $0xFFFFCA00  }
0x2c: {  	[spmem:s5] =	stream.linear.scatter [tilespmem:s21], [sflag:$0x1], $0x35A0, $0x38;
	[tilespmem:$0x1A5A0] =	vst v63  }
0x2d: {  	_ =	swait.ge [sflag:s22], $0x35A0  }
0x2e: {  	[sflag:s22] =	ssyncset.done $0x0  }
0x2f: {  	[sflag:s22] =	ssyncadd.s32 $0xFFFFCA60  }
0x30: {  	[spmem:s6] =	stream.linear.scatter [tilespmem:s21], [sflag:$0x1], $0x3600, $0x38;
	[tilespmem:$0x1A5A0] =	vst v63  }
0x31: {  	_ =	swait.ge [sflag:s22], $0x3600  }
0x32: {  	[sflag:s22] =	ssyncset.done $0x0  }
0x33: {  	[sflag:s22] =	ssyncadd.s32 $0xFFFFCA00  }
0x34: {  	[bflag:$0x0] =	sbarrier.arrive $0xFFFF  }
0x35: {  	[tilespmem:s3], [sflag:$0x1] =	stream.linear.gather [hbm4b:s9+s3], $0x3100, $0x38;
	[tilespmem:$0x1A5A0] =	vst v63  }
0x36: {  	_ =	swait.ge [sflag:s22], $0x3100  }
0x37: {  	[sflag:s22] =	ssyncset.done $0x0  }
0x38: {  	[sflag:s22] =	ssyncadd.s32 $0xFFFFCF00  }
0x39: {  	[spmem:s2] =	stream.indirect.scatter [tilespmem:s23], [sflag:$0x1], $0x1, s3, s23, $0xb8;
	[tilespmem:$0x1A5A0] =	vst v63  }
0x3a: {  	_ =	swait.ge [sflag:s22], $0x3100  }
0x3b: {  	[sflag:s22] =	ssyncset.done $0x0  }
0x3c: {  	[sflag:s22] =	ssyncadd.s32 $0xFFFFCF00  }
0x3d: {  	[tilespmem:s3], [sflag:$0x1] =	stream.linear.gather [hbm4b:s10+s3], $0x3100, $0x38;
	[tilespmem:$0x1A5A0] =	vst v63  }
0x3e: {  	_ =	swait.ge [sflag:s22], $0x3100  }
0x3f: {  	[sflag:s22] =	ssyncset.done $0x0  }
0x40: {  	[sflag:s22] =	ssyncadd.s32 $0xFFFFCF00  }
0x41: {  	[spmem:s2] =	stream.indirect.scatter [tilespmem:s23], [sflag:$0x1], $0x1, s3, s23, $0xb8;
	[tilespmem:$0x1A5A0] =	vst v63  }
0x42: {  	_ =	swait.ge [sflag:s22], $0x3100  }
0x43: {  	[sflag:s22] =	ssyncset.done $0x0  }
0x44: {  	[sflag:s22] =	ssyncadd.s32 $0xFFFFCF00  }
0x45: {  	[tilespmem:s3], [sflag:$0x1] =	stream.linear.gather [hbm4b:s11+s3], $0x3100, $0x38;
	[tilespmem:$0x1A5A0] =	vst v63  }
0x46: {  	_ =	swait.ge [sflag:s22], $0x3100  }
0x47: {  	[sflag:s22] =	ssyncset.done $0x0  }
0x48: {  	[sflag:s22] =	ssyncadd.s32 $0xFFFFCF00  }
0x49: {  	[spmem:s2] =	stream.indirect.scatter [tilespmem:s23], [sflag:$0x1], $0x1, s3, s23, $0xb8;
	[tilespmem:$0x1A5A0] =	vst v63  }
0x4a: {  	_ =	swait.ge [sflag:s22], $0x3100  }
0x4b: {  	[sflag:s22] =	ssyncset.done $0x0  }
0x4c: {  	[sflag:s22] =	ssyncadd.s32 $0xFFFFCF00  }
0x4d: {  	[tilespmem:s3], [sflag:$0x1] =	stream.linear.gather [hbm4b:s12+s3], $0x3100, $0x38;
	[tilespmem:$0x1A5A0] =	vst v63  }
0x4e: {  	_ =	swait.ge [sflag:s22], $0x3100  }
0x4f: {  	[sflag:s22] =	ssyncset.done $0x0  }
0x50: {  	[sflag:s22] =	ssyncadd.s32 $0xFFFFCF00  }
0x51: {  	[spmem:s2] =	stream.indirect.scatter [tilespmem:s23], [sflag:$0x1], $0x1, s3, s23, $0xb8;
	[tilespmem:$0x1A5A0] =	vst v63  }
0x52: {  	_ =	swait.ge [sflag:s22], $0x3100  }
0x53: {  	[sflag:s22] =	ssyncset.done $0x0  }
0x54: {  	[sflag:s22] =	ssyncadd.s32 $0xFFFFCF00  }
0x55: {  	[bflag:$0x0] =	sbarrier.arrive $0xFFFF  }
0x56: {  	[tilespmem:s24], [sflag:$0x1] =	stream.linear.gather [spmem:s4], $0x35D0, $0x38;
	[tilespmem:$0x1A5A0] =	vst v63  }
0x57: {  	_ =	swait.ge [sflag:s22], $0x35D0  }
0x58: {  	[sflag:s22] =	ssyncset.done $0x0  }
0x59: {  	[sflag:s22] =	ssyncadd.s32 $0xFFFFCA30  }
0x5a: {  	[tilespmem:s25], [sflag:$0x1] =	stream.linear.gather [hbm4b:s13+s3], $0x35D0, $0x38;
	[tilespmem:$0x1A5A0] =	vst v63  }
0x5b: {  	_ =	swait.ge [sflag:s22], $0x35D0  }
0x5c: {  	[sflag:s22] =	ssyncset.done $0x0  }
0x5d: {  	[sflag:s22] =	ssyncadd.s32 $0xFFFFCA30  }
0x5e: {  	[spmem:s6] =	stream.indirect.scatter.add.f32 [tilespmem:s24], [sflag:$0x1], $0x1, s25, s26, $0xb8;
	[tilespmem:$0x1A5A0] =	vst v63  }
0x5f: {  	_ =	swait.ge [sflag:s22], $0x35D0  }
0x60: {  	[sflag:s22] =	ssyncset.done $0x0  }
0x61: {  	[sflag:s22] =	ssyncadd.s32 $0xFFFFCA30  }
0x62: {  	[tilespmem:s25], [sflag:$0x1] =	stream.linear.gather [hbm4b:s14+s3], $0x35D0, $0x38;
	[tilespmem:$0x1A5A0] =	vst v63  }
0x63: {  	_ =	swait.ge [sflag:s22], $0x35D0  }
0x64: {  	[sflag:s22] =	ssyncset.done $0x0  }
0x65: {  	[sflag:s22] =	ssyncadd.s32 $0xFFFFCA30  }
0x66: {  	[spmem:s6] =	stream.indirect.scatter.add.f32 [tilespmem:s24], [sflag:$0x1], $0x1, s25, s26, $0xb8;
	[tilespmem:$0x1A5A0] =	vst v63  }
0x67: {  	_ =	swait.ge [sflag:s22], $0x35D0  }
0x68: {  	[sflag:s22] =	ssyncset.done $0x0  }
0x69: {  	[sflag:s22] =	ssyncadd.s32 $0xFFFFCA30  }
0x6a: {  	[tilespmem:s25], [sflag:$0x1] =	stream.linear.gather [hbm4b:s15+s3], $0x35D0, $0x38;
	[tilespmem:$0x1A5A0] =	vst v63  }
0x6b: {  	_ =	swait.ge [sflag:s22], $0x35D0  }
0x6c: {  	[sflag:s22] =	ssyncset.done $0x0  }
0x6d: {  	[sflag:s22] =	ssyncadd.s32 $0xFFFFCA30  }
0x6e: {  	[spmem:s6] =	stream.indirect.scatter.add.f32 [tilespmem:s24], [sflag:$0x1], $0x1, s25, s26, $0xb8;
	[tilespmem:$0x1A5A0] =	vst v63  }
0x6f: {  	_ =	swait.ge [sflag:s22], $0x35D0  }
0x70: {  	[sflag:s22] =	ssyncset.done $0x0  }
0x71: {  	[sflag:s22] =	ssyncadd.s32 $0xFFFFCA30  }
0x72: {  	[tilespmem:s24], [sflag:$0x1] =	stream.linear.gather [spmem:s16], $0x35D0, $0x38;
	[tilespmem:$0x1A5A0] =	vst v63  }
0x73: {  	_ =	swait.ge [sflag:s22], $0x35D0  }
0x74: {  	[sflag:s22] =	ssyncset.done $0x0  }
0x75: {  	[sflag:s22] =	ssyncadd.s32 $0xFFFFCA30  }
0x76: {  	[tilespmem:s25], [sflag:$0x1] =	stream.linear.gather [hbm4b:s17+s3], $0x35D0, $0x38;
	[tilespmem:$0x1A5A0] =	vst v63  }
0x77: {  	_ =	swait.ge [sflag:s22], $0x35D0  }
0x78: {  	[sflag:s22] =	ssyncset.done $0x0  }
0x79: {  	[sflag:s22] =	ssyncadd.s32 $0xFFFFCA30  }
0x7a: {  	[spmem:s18] =	stream.indirect.scatter.add.f32 [tilespmem:s24], [sflag:$0x1], $0x1, s25, s26, $0xb8;
	[tilespmem:$0x1A5A0] =	vst v63  }
0x7b: {  	_ =	swait.ge [sflag:s22], $0x35D0  }
0x7c: {  	[sflag:s22] =	ssyncset.done $0x0  }
0x7d: {  	[sflag:s22] =	ssyncadd.s32 $0xFFFFCA30  }
0x7e: {  	[tilespmem:s25], [sflag:$0x1] =	stream.linear.gather [hbm4b:s19+s3], $0x35D0, $0x38;
	[tilespmem:$0x1A5A0] =	vst v63  }
0x7f: {  	_ =	swait.ge [sflag:s22], $0x35D0  }
0x80: {  	[sflag:s22] =	ssyncset.done $0x0  }
0x81: {  	[sflag:s22] =	ssyncadd.s32 $0xFFFFCA30  }
0x82: {  	[spmem:s18] =	stream.indirect.scatter.add.f32 [tilespmem:s24], [sflag:$0x1], $0x1, s25, s26, $0xb8;
	[tilespmem:$0x1A5A0] =	vst v63  }
0x83: {  	_ =	swait.ge [sflag:s22], $0x35D0  }
0x84: {  	[sflag:s22] =	ssyncset.done $0x0  }
0x85: {  	[sflag:s22] =	ssyncadd.s32 $0xFFFFCA30  }
0x86: {  	[tilespmem:s25], [sflag:$0x1] =	stream.linear.gather [hbm4b:s20+s3], $0x35D0, $0x38;
	[tilespmem:$0x1A5A0] =	vst v63  }
0x87: {  	_ =	swait.ge [sflag:s22], $0x35D0  }
0x88: {  	[sflag:s22] =	ssyncset.done $0x0  }
0x89: {  	[sflag:s22] =	ssyncadd.s32 $0xFFFFCA30  }
0x8a: {  	[spmem:s18] =	stream.indirect.scatter.add.f32 [tilespmem:s24], [sflag:$0x1], $0x1, s25, s26, $0xb8;
	[tilespmem:$0x1A5A0] =	vst v63  }
0x8b: {  	_ =	swait.ge [sflag:s22], $0x35D0  }
0x8c: {  	s31 =	sshll.u32 s0, $0x6;
	s30 =	sadd.s32 $0x1, s30;
	[sflag:s22] =	ssyncset.done $0x0  }
0x8d: {  	s1 =	sor.u32 $0x1C01, s31;
	p0 =	sne.s32 s30, s8;
	[sflag:s22] =	ssyncadd.s32 $0xFFFFCA30  }
.Ltmp2:
0x8e: {  	s31 =	sshrl.u32 s6, $0x3;
	[bflag:$0x0] =	sbarrier.arrive $0xFFFF;
	(pc) =	sbr.rel @p0 .LBB2_1-.Ltmp2, $4  }
0x8f: {  	[hbm:s7@s28], [sflag:s1] =	dma.strided [spmem:s31@s29], $0x6C0, s22, $0x10   }
0x90: {  	_ =	swait.ge [sflag:s22], $0x6C0  }
0x91: {  	[sflag:s22] =	ssyncset.done $0x0  }
0x92: {  	[sflag:s22] =	ssyncadd.s32 $0xFFFFF940  }
0x93: {  	_ =	sfence.sel $0x180000  }
0x94: {  	[bflag:$0x0] =	sbarrier.arrive $0xFFFF  }
0x95: {  	_ =	strace $0x90000047  }
0x96: {  	[bflag:$0x2] =	sbarrier.arrive $0xFFFF  }
0x97: {  	p0 =	sne.s32 s0, $0x0;
	s0 =	rddreg [dreg:$0x3]  }
0x98: {  	s0 =	sadd.s32 @!p0 $0x100000, s0  }
0x99: {  	[sflag:s0] =	ssyncadd.tile.s32 @!p0 $0x1;
	_ =	shalt  }
.Lfunc_end2:
_tile_overlayer_lowered:
.L_overlay_start_2:
0x9a: {  	(tag) =	ssettag $0x2  }
0x9b: {  	s0 =	rddreg [dreg:$0x0];
	s2 =	stileid.u32  }
0x9c: {  	s1 =	rddreg [dreg:$0x1];
	p0 =	sne.s32 s2, $0x0  }
0x9d: {  	s3 =	rddreg [dreg:$0x2];
	[bflag:$0x3] =	sbarrier.arrive $0xFFFF;
	s2 =	simm.s32 @!p0 $0x1C01  }
0x9e: {  	[timem:s3], [sflag:s2] =	dma.local @!p0 [hbm:s0], s1  }
0x9f: {  	s0 =	simm.s32 @!p0 $0x1  }
0xa0: {  	_ =	swait.ge @!p0 [sflag:s0], s1  }
0xa1: {  	s1 =	ssub.s32 @!p0 $0x0, s1;
	[sflag:s0] =	ssyncset.done @!p0 $0x0  }
0xa2: {  	[sflag:s0] =	ssyncadd.s32 @!p0 s1  }
0xa3: {  	[bflag:$0x3] =	sbarrier.arrive $0xFFFF  }
0xa4: {  	_ =	shalt  }

// kernel: _impl.7.cloned.1.call-start
scs
__scs_entry_jumppad:
0x0: {  	(pc) =	sbr.rel $0x88, $3  }
0x1: {  	(tag) =	ssettag $0x0;
	lr =	simm.s32 $0x1  }
0x2: {  	[smem:$0x3F9C] =	sst lr;
	_ =	strace $0xD0000000  }
0x3: {  	_ = 	snop  }
0x4: {  	_ = 	snop  }
0x5: {  	_ = 	snop  }
0x6: {  	_ = 	snop  }
0x7: {  	_ = 	snop  }
__scs_overlays_trampoline_lowered:
0x8: {  	[smem:$0x3FAB] =	sst s0  }
0x9: {  	[smem:$0x3FAC] =	sst s1  }
0xa: {  	[smem:$0x3FAD] =	sst s2  }
0xb: {  	[smem:$0x3FAE] =	sst s3  }
0xc: {  	[smem:$0x3FAF] =	sst s4  }
0xd: {  	[smem:$0x3FB0] =	sst s5  }
0xe: {  	[smem:$0x3FB1] =	sst s6  }
0xf: {  	[smem:$0x3FB2] =	sst s7  }
0x10: {  	[smem:$0x3FB3] =	sst s8  }
0x11: {  	[smem:$0x3FB4] =	sst s9;
	s0 =	simm.s32 @!p0 $0x0  }
0x12: {  	s1 =	sld [smem:$0x3F9A];
	s0 =	simm.s32 @p0 $0x1  }
0x13: {  	[smem:$0x3FB5] =	sst s0;
	s0 =	simm.s32 @!p1 $0x0  }
0x14: {  	s2 =	sld [smem:$0x3F99];
	s0 =	simm.s32 @p1 $0x1  }
0x15: {  	[smem:$0x3FB6] =	sst s0;
	s0 =	simm.s32 @!p2 $0x0  }
0x16: {  	s3 =	sld [smem:$0x3FDB];
	s0 =	simm.s32 @p2 $0x1  }
0x17: {  	s4 =	simm.s32 $0x1BF5;
	[smem:$0x3FB8] =	sst s0  }
0x18: {  	s0 =	sld [smem:$0x3F9B];
	_ =	swait.ge [sflag:s4], $0x0  }
0x19: {  	s7 =	sld [smem:$0x3F9C]  }
0x1a: {  	s8 =	sadd.s32 $0xFFFFE003, lr  }
0x1b: {  	s9 =	sadd.s32 $0xFFFFFEF7, lr;
	s5 =	simm.s32 $0xFFFFFFFF;
	p2 =	slt.u32 s8, $0xFFFFF086  }
0x1c: {  	p1 =	slt.u32 s9, $0xF7A;
	s5 =	simm.s32 @!p2 $0x0  }
0x1d: {  	s5 =	simm.s32 @p1 $0x1;
	p0 =	seq.s32 s7, s2  }
0x1e: {  	s7 =	smul.u32 @!p0 $0xF7A, s2;
	p2 =	seq.s32 @!p0 s5, $0x0  }
0x1f: {  	s9 =	smul.u32 $0xF7A, s1;
	s8 =	simm.s32 @!p0 $0x1BF5;
	p2 =	por !p2, p0  }
0x20: {  	[sflag:s8] =	ssyncset.s32 @!p0 $0xFFFFF086;
	s6 =	sadd.s32 @!p0 s3, s7;
	s7 =	simm.s32 @!p0 $0x108  }
0x21: {  	s3 =	sadd.s32 s3, s9;
	s6 =	sadd.s32 @!p0 $0x88, s6;
	s7 =	simm.s32 @p2 $0x1082  }
0x22: {  	[simem:s7], [sflag:s8] =	dma.local @!p0 [hbm:s6], $0xF7A  }
0x23: {  	s9 =	sor.u32 $0xD0000000, s2;
	s6 =	simm.s32 $0x108;
	_ =	swait.ge @!p0 [sflag:s8], $0x0  }
0x24: {  	s3 =	sadd.s32 $0x88, s3;
	s6 =	simm.s32 @!p1 $0x1082;
	[sflag:s4] =	ssyncset.s32 $0xFFFFF086  }
0x25: {  	[simem:s6], [sflag:s4] =	dma.local [hbm:s3], $0xF7A  }
0x26: {  	[smem:$0x3F9C] =	sst s1;
	(tag) =	ssettag s2;
	_ =	strace s9  }
0x27: {  	s1 =	sld [smem:$0x3FAC]  }
0x28: {  	s2 =	sld [smem:$0x3FAD]  }
0x29: {  	s4 =	sld [smem:$0x3FAF]  }
0x2a: {  	p0 =	seq.s32 s5, $0x0;
	s5 =	sld [smem:$0x3FB0]  }
0x2b: {  	s6 =	sld [smem:$0x3FB1]  }
0x2c: {  	s7 =	sld [smem:$0x3FB2]  }
0x2d: {  	s3 =	simm.s32 $0x108;
	s8 =	sld [smem:$0x3FB3]  }
0x2e: {  	s3 =	simm.s32 @!p0 $0x1082;
	s9 =	sld [smem:$0x3FB4]  }
0x2f: {  	lr =	sadd.s32 s0, s3;
	s0 =	sld [smem:$0x3FAB]  }
0x30: {  	s3 =	sld [smem:$0x3FAE]  }
0x31: {  	[smem:$0x3FB7] =	sst s10  }
0x32: {  	s10 =	sld [smem:$0x3FB5];
	_ =	sdelay $0x3  }
0x33: {  	p0 =	seq.s32 s10, $0x1;
	s10 =	sld [smem:$0x3FB7];
	_ =	sdelay $0x3  }
0x34: {  	[smem:$0x3FB7] =	sst s10  }
0x35: {  	s10 =	sld [smem:$0x3FB6];
	_ =	sdelay $0x3  }
0x36: {  	p1 =	seq.s32 s10, $0x1;
	s10 =	sld [smem:$0x3FB7];
	_ =	sdelay $0x3  }
0x37: {  	[smem:$0x3FB7] =	sst s10  }
0x38: {  	s10 =	sld [smem:$0x3FB8]  }
0x39: {  	_ = 	snop;
	(pc) =	sbr.ind lr, $3  }
0x3a: {  	_ = 	snop  }
0x3b: {  	_ = 	snop  }
0x3c: {  	p2 =	seq.s32 s10, $0x1;
	s10 =	sld [smem:$0x3FB7]  }
0x3d: {  	_ =	shalt  }
0x3e: {  	_ =	shalt  }
0x3f: {  	_ =	shalt  }
0x40: {  	_ =	shalt  }
0x41: {  	_ =	shalt  }
0x42: {  	_ =	shalt  }
0x43: {  	_ =	shalt  }
0x44: {  	_ =	shalt  }
0x45: {  	_ =	shalt  }
0x46: {  	_ =	shalt  }
0x47: {  	_ =	shalt  }
0x48: {  	_ =	shalt  }
0x49: {  	_ =	shalt  }
0x4a: {  	_ =	shalt  }
0x4b: {  	_ =	shalt  }
0x4c: {  	_ =	shalt  }
0x4d: {  	_ =	shalt  }
0x4e: {  	_ =	shalt  }
0x4f: {  	_ =	shalt  }
0x50: {  	_ =	shalt  }
0x51: {  	_ =	shalt  }
0x52: {  	_ =	shalt  }
0x53: {  	_ =	shalt  }
0x54: {  	_ =	shalt  }
0x55: {  	_ =	shalt  }
0x56: {  	_ =	shalt  }
0x57: {  	_ =	shalt  }
0x58: {  	_ =	shalt  }
0x59: {  	_ =	shalt  }
0x5a: {  	_ =	shalt  }
0x5b: {  	_ =	shalt  }
0x5c: {  	_ =	shalt  }
0x5d: {  	_ =	shalt  }
0x5e: {  	_ =	shalt  }
0x5f: {  	_ =	shalt  }
0x60: {  	_ =	shalt  }
0x61: {  	_ =	shalt  }
0x62: {  	_ =	shalt  }
0x63: {  	_ =	shalt  }
0x64: {  	_ =	shalt  }
0x65: {  	_ =	shalt  }
0x66: {  	_ =	shalt  }
0x67: {  	_ =	shalt  }
0x68: {  	_ =	shalt  }
0x69: {  	_ =	shalt  }
0x6a: {  	_ =	shalt  }
0x6b: {  	_ =	shalt  }
0x6c: {  	_ =	shalt  }
0x6d: {  	_ =	shalt  }
0x6e: {  	_ =	shalt  }
0x6f: {  	_ =	shalt  }
0x70: {  	_ =	shalt  }
0x71: {  	_ =	shalt  }
0x72: {  	_ =	shalt  }
0x73: {  	_ =	shalt  }
0x74: {  	_ =	shalt  }
0x75: {  	_ =	shalt  }
0x76: {  	_ =	shalt  }
0x77: {  	_ =	shalt  }
0x78: {  	_ =	shalt  }
0x79: {  	_ =	shalt  }
0x7a: {  	_ =	shalt  }
0x7b: {  	_ =	shalt  }
0x7c: {  	_ =	shalt  }
0x7d: {  	_ =	shalt  }
0x7e: {  	_ =	shalt  }
0x7f: {  	_ =	shalt  }
0x80: {  	_ =	shalt  }
0x81: {  	_ =	shalt  }
0x82: {  	_ =	shalt  }
0x83: {  	_ =	shalt  }
0x84: {  	_ =	shalt  }
0x85: {  	_ =	shalt  }
0x86: {  	_ =	shalt  }
0x87: {  	_ =	shalt  }
.Lfunc_end0:
.L_simem_size_0:
called_computation.1_lowered:
.L_overlay_start_0:
0x88: {  	s2 =	sld [smem:$0x3FD9]  }
0x89: {  	s3 =	sld [smem:$0x3FFE];
	_ =	sdelay $0x1  }
0x8a: {  	s1 =	srdreg.scid  }
0x8b: {  	s0 =	sand.u32 $0x1, s1  }
0x8c: {  	s16 =	sshll.u32 s0, $0xA;
	s2 =	sadd.s32 s3, s2  }
0x8d: {  	s2 =	sadd.s32 s2, s16  }
0x8e: {  	[smem:$0x3FC3] =	sst s2  }
0x8f: {  	_ = 	snop  }
0x90: {  	(tm) =	ssettm $0x1  }
0x91: {  	s17 =	sld [smem:$0x3FFB];
	_ =	sdelay $0x3  }
0x92: {  	_ =	strace s17  }
0x93: {  	s2 =	sld [smem:$0x3FFC];
	_ =	sdelay $0x3  }
0x94: {  	_ =	strace s2  }
0x95: {  	s2 =	sld [smem:$0x3FFD];
	_ =	sdelay $0x3  }
0x96: {  	_ =	strace s2  }
0x97: {  	_ =	strace $0x8FFFFFFF  }
0x98: {  	s18 =	sld [smem:$0x3FDB];
	_ =	sdelay $0x1  }
0x99: {  	s19 =	simm.s32 $_scs_section_size  }
0x9a: {  	s4 =	simm.s32 $_size__tile_overlayer_lowered;
	s5 =	simm.s32 $_tile_overlayer_lowered  }
0x9b: {  	s22 =	simm.s32 $0x1BFF;
	s21 =	sshll.u32 s5, $0x1;
	s2 =	sadd.s32 s19, s18  }
0x9c: {  	s6 =	simm.s32 $0x0;
	s20 =	sshll.u32 s4, $0x1;
	s4 =	sadd.s32 s21, s2  }
0x9d: {  	[timem:s6], [sflag:s22] =	dma.local [hbm:s4], s20  }
0x9e: {  	_ =	swait.ge [sflag:s22], s20  }
0x9f: {  	s3 =	ssub.s32 $0x0, s20;
	[sflag:s22] =	ssyncset.done $0x0  }
0xa0: {  	[sflag:s22] =	ssyncadd.s32 s3;
	_ =	sdelay $0x1  }
0xa1: {  	s23 =	simm.s32 $0x1B8B  }
0xa2: {  	_ =	swait.ge [sflag:s23], $0x1  }
0xa3: {  	[sflag:s23] =	ssyncset.done $0x0  }
0xa4: {  	s25 =	simm.s32 $0x1B8E;
	s24 =	sld [smem:$0x3FFE];
	[sflag:s23] =	ssyncadd.s32 $0xFFFFFFFF  }
0xa5: {  	s26 =	simm.s32 $execute0_lowered;
	[smem:$0x3FD2] =	sst s25  }
0xa6: {  	s4 =	sshll.u32 s26, $0x1;
	_ =	strace $0x80000049;
	[dreg:$0x1] =	wrdreg $0xFFFFFFFF  }
0xa7: {  	s28 =	simm.s32 $_size_execute0_lowered;
	s2 =	sadd.s32 s2, s4;
	[dreg:$0x0] =	wrdreg $0x0  }
0xa8: {  	s4 =	sshll.u32 s28, $0x1;
	[dreg:$0x2] =	wrdreg s2  }
0xa9: {  	[dreg:$0x3] =	wrdreg s4  }
0xaa: {  	[dreg:$0x4] =	wrdreg $0xC0  }
0xab: {  	_ =	task [dreg:s6], $0x5FFFF  }
0xac: {  	[dreg:$0x1] =	wrdreg $0xFFFFFFFF  }
0xad: {  	[dreg:$0x0] =	wrdreg $0x60  }
0xae: {  	[dreg:$0x2] =	wrdreg s24  }
0xaf: {  	[dreg:$0x3] =	wrdreg $0x9  }
0xb0: {  	_ =	task.clear_ibuf [dreg:s6], $0x4FFFF;
	_ =	strace $0x90000049  }
0xb1: {  	s29 =	simm.s32 $0x9;
	_ =	strace $0x8000004B  }
0xb2: {  	_ =	swait.ge [sflag:s29], $0x1  }
0xb3: {  	[sflag:s29] =	ssyncadd.s32 $0xFFFFFFFF  }
0xb4: {  	_ =	strace $0x9000004B  }
0xb5: {  	_ =	sfence  }
0xb6: {  	s30 =	sld [smem:$0x0];
	_ =	sdelay $0x2  }
0xb7: {  	s31 =	sshll.u32 s1, $0xD;
	s1 =	sshrl.u32 s1, $0x2  }
0xb8: {  	s3 =	sand.u32 $0x4000, s31;
	s1 =	sadd.s32 s1, s30  }
0xb9: {  	s0 =	sor.u32 s3, s0;
	s1 =	sshll.u32 s1, $0x11  }
0xba: {  	s0 =	sor.u32 s1, s0  }
0xbb: {  	s0 =	sadd.s32 $0x8F2B, s0  }
0xbc: {  	[sflag:s0] =	ssyncadd.remote.s32 $0x1  }
0xbd: {  	_ =	sfence.sel $0xFFFF  }
0xbe: {  	[dreg:$0x0] =	wrdreg $0xFFFFFFFF;
	(pc) =	sbr.abs _section_cstart, $3  }
0xbf: {  	[dreg:$0x1] =	wrdreg $0xFFFFFFFF  }
0xc0: {  	_ =	task.clear_ibuf [dreg:s6], $0x2FFFF;
	_ =	strace $0x9FFFFFFF  }
0xc1: {  	(tm) =	ssettm $0x7FFFFFFF  }
tec
execute0_lowered:
.L_overlay_start_1:
0x0: {  	(tag) =	ssettag $0x1  }
0x1: {  	s1 =	srdreg.scid  }
0x2: {  	s0 =	stileid.u32;
	s13 =	rddreg [dreg:$0x0];
	s2 =	simm.s32 $0x0  }
0x3: {  	s18 =	simm.f32 $0.0e+00;
	s19 =	simm.s32 $0x80;
	s20 =	simm.s32 $0x100  }
0x4: {  	s21 =	simm.s32 $0x1DA00;
	s22 =	simm.s32 $0x0;
	s1 =	sand.u32 $0x1, s1  }
0x5: {  	s3 =	sshll.u32 s0, $0x1;
	[smem:$0x7FF] =	sst s2;
	s9 =	sadd.s32 $0xDE600, s13  }
0x6: {  	s8 =	sshrl.u32 s0, $0x2;
	s12 =	sor.u32 s1, s3;
	_ =	strace $0x8000004A  }
0x7: {  	s3 =	sadd.s32 $0xCA200, s13;
	s1 =	ssub.s32 $0x2, s1;
	s8 =	smul.u32 $0x18, s8  }
0x8: {  	v0 =	vimm.f32 $2.240000000e+02;
	s4 =	smul.u32 $0x3100, s12;
	s6 =	sshll.u32 s12, $0x4;
	s28 =	sshrl.u32 s1, $0x1  }
0x9: {  	s7 =	smax.u32 s12, $0x1;
	s10 =	smul.u32 $0x6, s12;
	(erf) = vrcp.f32 v0;
	s11 =	sand.u32 $0x7, s12  }
0xa: {  	s12 =	smul.u32 $0x1B00, s12;
	s14 =	sadd.s32 s6, s13;
	s7 =	sadd.s32 $0xFFFFFFFF, s7  }
0xb: {  	s1 =	ssub.s32 s1, s28;
	s30 =	sor.u32 s8, s11;
	p0 =	seq.s32 s11, $0x0  }
0xc: {  	s5 =	sadd.s32 s4, s13;
	s29 =	sshrl.u32 s7, $0x3;
	s17 =	smul.u32 $0x6, s7  }
0xd: {  	s4 =	sadd.s32 $0x5AA00, s13;
	s15 =	sand.u32 $0x7, s7;
	s16 =	smul.u32 $0x18, s29  }
0xe: {  	s6 =	sadd.s32 s9, s10;
	s7 =	smul.u32 $0x1B00, s30;
	s18 =	simm.s32 @!p0 $0x3F800000  }
0xf: {  	v0 =	vlaneseq.u32;
	s13 =	sadd.s32 $0x5AA10, s13;
	s14 =	sadd.s32 $0x1400, s14;
	s31 =	sor.u32 s15, s16  }
0x10: {  	v2 =	vmul.u32 $0xFFFFFFFF, v0;
	s5 =	sadd.s32 $0x68200, s5;
	v0 =	vmov s18;
	s18 =	simm.s32 $0x1D980;
	s8 =	smul.u32 $0x1B00, s31  }
0x11: {  	s9 =	sadd.s32 s9, s17;
	s10 =	sadd.s32 $0xD800, s7;
	s17 =	simm.s32 $0x1D900  }
0x12: {  	v3 =	vimm.s32 $0x0;
	v4 =	vimm.f32 $0.0e+00;
	v2 =	vadd.s32 $0x1AEA, v2;
	s15 =	smax.u32 s1, $0x1;
	s16 =	simm.s32 $0x1;
	s11 =	sadd.s32 $0xD800, s8;
	v1 =	vpop (erf)  }
.LBB2_1:
0x13: {  	[tilespmem:s2], [sflag:$0x1] =	stream.linear.gather [hbm4b:s5+s2], $0x18800, $0x38;
	[tilespmem:$0x1DA80] =	vst v63  }
0x14: {  	_ =	swait.ge [sflag:s16], $0x18800  }
0x15: {  	[sflag:s16] =	ssyncset.done $0x0  }
0x16: {  	[sflag:s16] =	ssyncadd.s32 $0xFFFE7800  }
0x17: {  	[tilespmem:s17], [sflag:$0x1] =	stream.linear.gather [hbm4b:s6+s2], $0x30, $0x38;
	[tilespmem:$0x1DA80] =	vst v63  }
0x18: {  	_ =	swait.ge [sflag:s16], $0x30  }
0x19: {  	[sflag:s16] =	ssyncset.done $0x0  }
0x1a: {  	[sflag:s16] =	ssyncadd.s32 $0xFFFFFFD0  }
0x1b: {  	[tilespmem:s18], [sflag:$0x1] =	stream.linear.gather [hbm4b:s9+s2], $0x30, $0x38;
	[tilespmem:$0x1DA80] =	vst v63  }
0x1c: {  	_ =	swait.ge [sflag:s16], $0x30  }
0x1d: {  	[sflag:s16] =	ssyncset.done $0x0  }
0x1e: {  	[sflag:s16] =	ssyncadd.s32 $0xFFFFFFD0  }
0x1f: {  	v5 =	vld [tilespmem:$0x1D900]  }
0x20: {  	v6 =	vld [tilespmem:$0x1D910]  }
0x21: {  	v7 =	vld [tilespmem:$0x1D920]  }
0x22: {  	v8 =	vld [tilespmem:$0x1D980]  }
0x23: {  	v9 =	vld [tilespmem:$0x1D990]  }
0x24: {  	p1 =	por $0x1, $0x1;
	v11 =	vimm.f32 $0.0e+00;
	v16 =	vimm.f32 $0.0e+00;
	s24 =	simm.s32 $0x0;
	v10 =	vld [tilespmem:$0x1D9A0]  }
.LBB2_2:
0x25: {  	s1 =	sadd.s32 s7, s24  }
0x26: {  	s1 =	sshrl.u32 s1, $0x3  }
0x27: {  	s29 =	simm.s32 $0x18800;
	s23 =	sadd.s32 s3, s1;
	s1 =	simm.s32 $0x0  }
0x28: {  	[tilespmem:s29], [sflag:$0x1] =	stream.linear.gather [hbm4b:s23+s1], $0xD80, $0x38;
	[tilespmem:$0x1DA80] =	vst v63  }
0x29: {  	s26 =	sadd.s32 s10, s24;
	_ =	swait.ge [sflag:s16], $0xD80  }
0x2a: {  	s23 =	sshrl.u32 s26, $0x3;
	[sflag:s16] =	ssyncset.done $0x0  }
0x2b: {  	s30 =	simm.s32 $0x19580;
	s23 =	sadd.s32 s3, s23;
	[sflag:s16] =	ssyncadd.s32 $0xFFFFF280  }
0x2c: {  	[tilespmem:s30], [sflag:$0x1] =	stream.linear.gather [hbm4b:s23+s1], $0xD80, $0x38;
	[tilespmem:$0x1DA80] =	vst v63  }
0x2d: {  	s25 =	sadd.s32 s8, s24;
	_ =	swait.ge [sflag:s16], $0xD80  }
0x2e: {  	s23 =	sshrl.u32 s25, $0x3;
	[sflag:s16] =	ssyncset.done $0x0  }
0x2f: {  	s25 =	simm.s32 $0x1A300;
	s23 =	sadd.s32 s3, s23;
	[sflag:s16] =	ssyncadd.s32 $0xFFFFF280  }
0x30: {  	[tilespmem:s25], [sflag:$0x1] =	stream.linear.gather [hbm4b:s23+s1], $0xD80, $0x38;
	[tilespmem:$0x1DA80] =	vst v63  }
0x31: {  	s26 =	sadd.s32 s11, s24;
	_ =	swait.ge [sflag:s16], $0xD80  }
0x32: {  	s23 =	sshrl.u32 s26, $0x3;
	[sflag:s16] =	ssyncset.done $0x0  }
0x33: {  	s28 =	simm.s32 $0x1B080;
	s23 =	sadd.s32 s3, s23;
	[sflag:s16] =	ssyncadd.s32 $0xFFFFF280  }
0x34: {  	[tilespmem:s28], [sflag:$0x1] =	stream.linear.gather [hbm4b:s23+s1], $0xD80, $0x38;
	[tilespmem:$0x1DA80] =	vst v63  }
0x35: {  	s26 =	sadd.s32 s12, s24;
	_ =	swait.ge [sflag:s16], $0xD80  }
0x36: {  	s23 =	sshrl.u32 s26, $0x2;
	[sflag:s16] =	ssyncset.done $0x0  }
0x37: {  	s26 =	simm.s32 $0x1BE00;
	s31 =	sadd.s32 s4, s23;
	[sflag:s16] =	ssyncadd.s32 $0xFFFFF280  }
0x38: {  	[tilespmem:s26], [sflag:$0x1] =	stream.strided.gather [hbm4b:s31+s19], $0xD80, s20, s19, $0x38;
	[tilespmem:$0x1DA80] =	vst v63  }
0x39: {  	_ =	swait.ge [sflag:s16], $0xD80  }
0x3a: {  	[sflag:s16] =	ssyncset.done $0x0  }
0x3b: {  	s31 =	sadd.s32 s23, s13;
	s23 =	simm.s32 $0x1CB80;
	[sflag:s16] =	ssyncadd.s32 $0xFFFFF280  }
0x3c: {  	[tilespmem:s23], [sflag:$0x1] =	stream.strided.gather [hbm4b:s31+s19], $0xD80, s20, s19, $0x38;
	[tilespmem:$0x1DA80] =	vst v63  }
0x3d: {  	_ =	swait.ge [sflag:s16], $0xD80  }
0x3e: {  	[sflag:s16] =	ssyncset.done $0x0  }
0x3f: {  	[sflag:s16] =	ssyncadd.s32 $0xFFFFF280  }
0x40: {  	v12 =	vld [tilespmem:s30+$0x0];
	_ =	sdelay $0x1  }
0x41: {  	v13 =	vld [tilespmem:s29+$0x0];
	_ =	sdelay $0x2  }
0x42: {  	v12 =	vmul.f32 v12, v5;
	_ =	sdelay $0x1  }
0x43: {  	v13 =	vmul.f32 v13, v5;
	v12 =	vadd.f32 v12, v7;
	_ =	sdelay $0x1  }
0x44: {  	v13 =	vadd.f32 v13, v6;
	v15 =	vadd.f32 $1.000000000e+00, v12;
	_ =	sdelay $0x1  }
0x45: {  	v17 =	vadd.f32 $1.000000000e+00, v13;
	v12 =	vmul.f32 $2.240000000e+02, v15;
	_ =	sdelay $0x1  }
0x46: {  	v13 =	vmul.f32 $2.240000000e+02, v17;
	v12 =	vadd.f32 $-1.000000000e+00, v12;
	_ =	sdelay $0x1  }
0x47: {  	v13 =	vadd.f32 $-1.000000000e+00, v13;
	v12 =	vmul.f32 $5.000000000e-01, v12;
	_ =	sdelay $0x1  }
0x48: {  	v13 =	vmul.f32 $5.000000000e-01, v13;
	v14 =	vtrunc.f32 v12  }
0x49: {  	v21 =	vld [tilespmem:s28+$0x0];
	v18 =	vcvt.f32.s32 v14;
	vm0 =	vlt.f32 v12, v14  }
0x4a: {  	v22 =	vld [tilespmem:s25+$0x0];
	v14 =	vtrunc.f32 v13;
	v19 =	vsel vm0, $0xFFFFFFFF, v3  }
0x4b: {  	v20 =	vcvt.f32.s32 v14;
	vm4 =	vlt.f32 v13, v14;
	v14 =	vadd.s32 v18, v19  }
0x4c: {  	v18 =	vsel vm4, $0xFFFFFFFF, v3;
	v19 =	vcvt.s32.f32 v14  }
0x4d: {  	v18 =	vadd.s32 v20, v18  }
0x4e: {  	v20 =	vcvt.s32.f32 v18;
	v12 =	vsub.f32 v12, v19  }
0x4f: {  	v21 =	vmul.f32 v21, v8;
	v22 =	vmul.f32 v22, v8;
	v19 =	vand.u32 $0x1, v14  }
0x50: {  	s29 =	simm.s32 $0x18810;
	v13 =	vsub.f32 v13, v20;
	vm5 =	veq.s32 v19, $0x1;
	vm1 =	veq.f32 v12, $5.000000000e-01  }
0x51: {  	v19 =	vld [tilespmem:s29+$0x0];
	v20 =	vand.u32 $0x1, v18;
	s29 =	simm.s32 $0x19590;
	vm2 =	vgt.f32 v12, $5.000000000e-01;
	vm0 =	vmand vm1, vm5  }
0x52: {  	vm6 =	veq.s32 v20, $0x1;
	v12 =	vld [tilespmem:s29+$0x0];
	vm3 =	veq.f32 v13, $5.000000000e-01;
	vm0 =	vmor vm2, vm0  }
0x53: {  	vm7 =	vgt.f32 v13, $5.000000000e-01;
	vm1 =	vmand vm3, vm6;
	v13 =	vsel vm0, $0x1, v3  }
0x54: {  	v21 =	vadd.f32 v21, v10;
	vm8 =	vmor vm7, vm1;
	v20 =	vadd.s32 v13, v14  }
0x55: {  	v13 =	vmov s24;
	v14 =	vsel vm8, $0x1, v3;
	vm9 =	vgt.s32 v20, $0x0  }
0x56: {  	v19 =	vmul.f32 v19, v5;
	v18 =	vadd.s32 v14, v18;
	v14 =	vnsel vm9, $0x0, v20  }
0x57: {  	v24 =	vld [tilespmem:s26+$0x0];
	v23 =	vmul.f32 v12, v5;
	vm10 =	vgt.s32 v18, $0x0;
	v12 =	vmin.u32 v14, $0xDF  }
0x58: {  	v26 =	vld [tilespmem:s23+$0x0];
	v14 =	vadd.f32 v19, v6;
	v19 =	vnsel vm10, $0x0, v18;
	v25 =	vmul.u32 $0x1C0, v12  }
0x59: {  	v12 =	vsub.s32 v2, v13;
	v13 =	vadd.f32 v23, v7;
	v19 =	vmin.u32 v19, $0xDF  }
0x5a: {  	v22 =	vadd.f32 v22, v9;
	v14 =	vadd.f32 $1.000000000e+00, v14;
	v19 =	vadd.s32 v19, v25  }
0x5b: {  	v21 =	vadd.f32 $1.000000000e+00, v21;
	v13 =	vadd.f32 $1.000000000e+00, v13;
	v25 =	vadd.s32 $0xE0, v19  }
0x5c: {  	v22 =	vadd.f32 $1.000000000e+00, v22;
	v15 =	vmul.f32 $1.120000000e+02, v15;
	v27 =	vmul.f32 $2.240000000e+02, v14  }
0x5d: {  	v24 =	vadd.f32 v26, v24;
	v21 =	vmul.f32 $1.120000000e+02, v21;
	v29 =	vmul.f32 $2.240000000e+02, v13  }
0x5e: {  	v17 =	vmul.f32 $1.120000000e+02, v17;
	v22 =	vmul.f32 $1.120000000e+02, v22;
	v26 =	vadd.f32 $-1.000000000e+00, v27  }
0x5f: {  	v28 =	vmov s1;
	vm11 =	vgt.f32 v24, $0.0e+00;
	v27 =	vadd.f32 $-1.000000000e+00, v29;
	v19 =	vld.idx.msk [tilespmem:v19+s2+$0x0], $0xffff  }
0x60: {  	s25 =	simm.s32 $0x18820;
	v62 =	vsub.f32 v21, v15;
	v17 =	vsub.f32 v22, v17;
	v26 =	vmul.f32 $5.000000000e-01, v26;
	v25 =	vld.idx.msk [tilespmem:v25+s2+$0x0], $0xffff  }
0x61: {  	vm13 =	vlt.u32 v20, $0xE0;
	vm12 =	vlt.u32 v18, $0xE0;
	v23 =	vld [tilespmem:s25+$0x0];
	v27 =	vmul.f32 $5.000000000e-01, v27  }
0x62: {  	vm2 =	vmand vm12, vm13;
	vm0 =	vlt.u32 v28, v12;
	v24 =	vtrunc.f32 v26  }
0x63: {  	v15 =	vtrunc.f32 v27;
	v18 =	vcvt.f32.s32 v24;
	vm4 =	vlt.f32 v26, v24  }
0x64: {  	v20 =	vcvt.f32.s32 v15;
	vm14 =	vlt.f32 v27, v15;
	v15 =	vsel vm2, $0x3F800000, v4  }
0x65: {  	v21 =	vsel vm4, $0xFFFFFFFF, v3;
	v19 =	vmul.f32 v15, v19;
	v24 =	vmul.f32 v15, v25  }
0x66: {  	v23 =	vmul.f32 v23, v5;
	v25 =	vadd.s32 v18, v21;
	v15 =	vsel vm14, $0xFFFFFFFF, v3  }
0x67: {  	v18 =	vadd.s32 v20, v15;
	v15 =	vand.u32 $0x7FFFFFFF, v19;
	v20 =	vand.u32 $0x7FFFFFFF, v24  }
0x68: {  	v21 =	vcvt.s32.f32 v25;
	v22 =	vand.u32 $0x1, v25;
	v15 =	vadd.f32 v20, v15  }
0x69: {  	vm15 =	veq.s32 v22, $0x1;
	v22 =	vand.u32 $0x1, v18;
	v20 =	vcvt.s32.f32 v18  }
0x6a: {  	s31 =	simm.s32 $0x195A0;
	v21 =	vsub.f32 v26, v21;
	vm8 =	vlt.f32 v15, $0.0e+00;
	vm9 =	vgt.f32 v15, $0.0e+00  }
0x6b: {  	v26 =	vld [tilespmem:s31+$0x0];
	vm5 =	veq.s32 v22, $0x1;
	v15 =	vsub.f32 v27, v20;
	vm3 =	vmor vm9, vm8  }
0x6c: {  	vm10 =	vgt.f32 v21, $5.000000000e-01;
	vm6 =	veq.f32 v21, $5.000000000e-01;
	vm1 =	vmand vm11, vm3  }
0x6d: {  	vm12 =	vmand vm6, vm15;
	vm7 =	veq.f32 v15, $5.000000000e-01;
	vm0 =	vmand vm0, vm1  }
0x6e: {  	vm11 =	vgt.f32 v15, $5.000000000e-01;
	vm13 =	vmand vm7, vm5;
	v15 =	vnsel vm0, $0x0, v0  }
0x6f: {  	vm14 =	vmor vm11, vm13;
	v19 =	vmul.f32 v15, v19;
	v17 =	vmul.f32 v15, v17  }
0x70: {  	v21 =	vmul.f32 v26, v5;
	vm1 =	vmor vm10, vm12;
	v20 =	vsel vm14, $0x1, v3  }
0x71: {  	v24 =	vmul.f32 v15, v24;
	v26 =	vmul.f32 v15, v62;
	v19 =	vsub.f32 v19, v17  }
0x72: {  	s29 =	simm.s32 $0x1B090;
	v22 =	vadd.f32 v23, v6;
	v27 =	vsel vm1, $0x1, v3;
	v17 =	vadd.s32 v20, v18  }
0x73: {  	p0 =	por p1, p1;
	s1 =	simm.s32 $0x30;
	s30 =	simm.s32 $0x1A310;
	v18 =	vld [tilespmem:s29+$0x0];
	v23 =	vsub.f32 v24, v26;
	vm15 =	vgt.s32 v17, $0x0;
	v63 =	vand.u32 $0x7FFFFFFF, v19  }
0x74: {  	s28 =	simm.s32 $0x10;
	s26 =	simm.s32 $0x1BE10;
	s24 =	simm.s32 $0x20;
	v20 =	vld [tilespmem:s30+$0x0];
	v19 =	vadd.s32 v27, v25;
	v25 =	vnsel vm15, $0x0, v17;
	v24 =	vadd.f32 v63, v16  }
.LBB2_3:
0x75: {  	p1 =	sne.s32 s1, $0xD70;
	vm0 =	vgt.s32 v19, $0x0;
	v16 =	vmin.u32 v25, $0xDF;
	v25 =	vld [tilespmem:s26+$0x0];
	v23 =	vand.u32 $0x7FFFFFFF, v23;
	s23 =	sadd.s32 $0x10, s23  }
0x76: {  	v26 =	vnsel vm0, $0x0, v19;
	v27 =	vmul.u32 $0x1C0, v16;
	v28 =	vld [tilespmem:s23+$0x0];
	v16 =	vadd.f32 v24, v23  }
0x77: {  	v21 =	vadd.f32 v21, v7;
	s25 =	sadd.s32 $0x10, s25;
	v11 =	vadd.f32 v15, v11;
	v23 =	vmin.u32 v26, $0xDF  }
0x78: {  	v22 =	vadd.f32 $1.000000000e+00, v22;
	v15 =	vld [tilespmem:s25+$0x0];
	v18 =	vmul.f32 v18, v8;
	v23 =	vadd.s32 v23, v27  }
0x79: {  	v21 =	vadd.f32 $1.000000000e+00, v21;
	v20 =	vmul.f32 v20, v8;
	v24 =	vadd.s32 $0xE0, v23  }
0x7a: {  	v26 =	vmul.f32 $2.240000000e+02, v22;
	v27 =	vmov s28;
	s28 =	smov.u32 s24;
	s24 =	smov.u32 s1;
	v18 =	vadd.f32 v18, v10  }
0x7b: {  	v29 =	vmul.f32 $2.240000000e+02, v21;
	v20 =	vadd.f32 v20, v9;
	v25 =	vadd.f32 v28, v25  }
0x7c: {  	v26 =	vadd.f32 $-1.000000000e+00, v26;
	vm0 =	vlt.u32 v27, v12;
	v18 =	vadd.f32 $1.000000000e+00, v18  }
0x7d: {  	v28 =	vmul.f32 $1.120000000e+02, v13;
	v13 =	vmovc v21;
	v27 =	vmul.f32 v15, v5;
	v15 =	vadd.f32 $-1.000000000e+00, v29;
	v23 =	vld.idx.msk [tilespmem:v23+s2+$0x0], $0xffff  }
0x7e: {  	v21 =	vmul.f32 $5.000000000e-01, v26;
	v20 =	vadd.f32 $1.000000000e+00, v20;
	v24 =	vld.idx.msk [tilespmem:v24+s2+$0x0], $0xffff;
	v18 =	vmul.f32 $1.120000000e+02, v18  }
0x7f: {  	vm1 =	vgt.f32 v25, $0.0e+00;
	v25 =	vmul.f32 $1.120000000e+02, v14;
	v14 =	vmovc v22;
	v15 =	vmul.f32 $5.000000000e-01, v15  }
0x80: {  	v22 =	vtrunc.f32 v21;
	v20 =	vmul.f32 $1.120000000e+02, v20;
	v18 =	vsub.f32 v18, v28  }
0x81: {  	vm2 =	vlt.u32 v19, $0xE0;
	vm3 =	vlt.u32 v17, $0xE0;
	v26 =	vtrunc.f32 v15  }
0x82: {  	vm2 =	vmand vm2, vm3;
	v17 =	vcvt.f32.s32 v22;
	vm4 =	vlt.f32 v21, v22  }
0x83: {  	v22 =	vsel vm2, $0x3F800000, v4;
	v19 =	vcvt.f32.s32 v26;
	vm3 =	vlt.f32 v15, v26  }
0x84: {  	v26 =	vsel vm4, $0xFFFFFFFF, v3;
	v23 =	vmul.f32 v22, v23;
	v22 =	vmul.f32 v22, v24  }
0x85: {  	v20 =	vsub.f32 v20, v25;
	v24 =	vadd.s32 v17, v26;
	v17 =	vsel vm3, $0xFFFFFFFF, v3  }
0x86: {  	v17 =	vadd.s32 v19, v17;
	v19 =	vand.u32 $0x7FFFFFFF, v23;
	v25 =	vand.u32 $0x7FFFFFFF, v22  }
0x87: {  	v26 =	vcvt.s32.f32 v24;
	v28 =	vand.u32 $0x1, v24;
	v19 =	vadd.f32 v25, v19  }
0x88: {  	vm2 =	veq.s32 v28, $0x1;
	v28 =	vand.u32 $0x1, v17;
	v25 =	vcvt.s32.f32 v17  }
0x89: {  	s31 =	sadd.s32 $0x10, s31;
	v21 =	vsub.f32 v21, v26;
	vm3 =	vlt.f32 v19, $0.0e+00;
	vm4 =	vgt.f32 v19, $0.0e+00  }
0x8a: {  	vm5 =	veq.s32 v28, $0x1;
	v15 =	vsub.f32 v15, v25;
	vm3 =	vmor vm4, vm3;
	v19 =	vld [tilespmem:s31+$0x0]  }
0x8b: {  	vm6 =	veq.f32 v21, $5.000000000e-01;
	vm4 =	vgt.f32 v21, $5.000000000e-01;
	vm1 =	vmand vm1, vm3  }
0x8c: {  	vm3 =	vgt.f32 v15, $5.000000000e-01;
	vm7 =	veq.f32 v15, $5.000000000e-01;
	vm0 =	vmand vm0, vm1  }
0x8d: {  	vm1 =	vmand vm6, vm2;
	vm2 =	vmand vm7, vm5;
	v15 =	vnsel vm0, $0x0, v0  }
0x8e: {  	vm0 =	vmor vm3, vm2;
	v23 =	vmul.f32 v15, v23;
	v20 =	vmul.f32 v15, v20  }
.Ltmp0:
0x8f: {  	vm1 =	vmor vm4, vm1;
	v21 =	vmul.f32 v19, v5;
	v19 =	vsel vm0, $0x1, v3;
	(pc) =	sbr.rel @p1 .LBB2_3-.Ltmp0, $4  }
0x90: {  	v25 =	vmul.f32 v15, v18;
	v20 =	vsub.f32 v23, v20;
	v23 =	vmul.f32 v15, v22  }
0x91: {  	s29 =	sadd.s32 $0x10, s29;
	v26 =	vsel vm1, $0x1, v3;
	v22 =	vadd.f32 v27, v6;
	v17 =	vadd.s32 v19, v17  }
0x92: {  	s30 =	sadd.s32 $0x10, s30;
	vm0 =	vgt.s32 v17, $0x0;
	v27 =	vand.u32 $0x7FFFFFFF, v20;
	v23 =	vsub.f32 v23, v25;
	v18 =	vld [tilespmem:s29+$0x0]  }
0x93: {  	s26 =	sadd.s32 $0x10, s26;
	s1 =	sadd.s32 $0x10, s1;
	v19 =	vadd.s32 v26, v24;
	v25 =	vnsel vm0, $0x0, v17;
	v24 =	vadd.f32 v27, v16;
	v20 =	vld [tilespmem:s30+$0x0]  }
0x94: {  	v16 =	vadd.f32 v21, v7;
	_ =	sdelay $0x1  }
0x95: {  	v16 =	vadd.f32 $1.000000000e+00, v16;
	_ =	sdelay $0x1  }
0x96: {  	v21 =	vadd.f32 $1.000000000e+00, v22;
	v61 =	vmul.f32 $2.240000000e+02, v16;
	_ =	sdelay $0x1  }
0x97: {  	v26 =	vmul.f32 $2.240000000e+02, v21;
	v22 =	vadd.f32 $-1.000000000e+00, v61;
	_ =	sdelay $0x1  }
0x98: {  	v26 =	vadd.f32 $-1.000000000e+00, v26;
	v22 =	vmul.f32 $5.000000000e-01, v22;
	_ =	sdelay $0x1  }
0x99: {  	vm0 =	vgt.s32 v19, $0x0;
	v26 =	vmul.f32 $5.000000000e-01, v26;
	v27 =	vtrunc.f32 v22  }
0x9a: {  	v25 =	vmin.u32 v25, $0xDF;
	v29 =	vcvt.f32.s32 v27;
	vm10 =	vlt.f32 v22, v27  }
0x9b: {  	v28 =	vnsel vm0, $0x0, v19;
	v62 =	vtrunc.f32 v26;
	v30 =	vsel vm10, $0xFFFFFFFF, v3  }
0x9c: {  	v31 =	vcvt.f32.s32 v62;
	vm11 =	vlt.f32 v26, v62;
	v63 =	vadd.s32 v29, v30  }
0x9d: {  	v25 =	vmul.u32 $0x1C0, v25;
	v33 =	vsel vm11, $0xFFFFFFFF, v3;
	v30 =	vcvt.s32.f32 v63  }
0x9e: {  	v23 =	vand.u32 $0x7FFFFFFF, v23;
	v28 =	vmin.u32 v28, $0xDF;
	v34 =	vadd.s32 v31, v33  }
0x9f: {  	v25 =	vadd.s32 v28, v25;
	v36 =	vcvt.s32.f32 v34;
	v22 =	vsub.f32 v22, v30  }
0xa0: {  	vm12 =	vlt.u32 v19, $0xE0;
	v35 =	vadd.s32 $0xE0, v25;
	v19 =	vand.u32 $0x1, v63  }
0xa1: {  	v37 =	vsub.f32 v26, v36;
	vm1 =	veq.s32 v19, $0x1;
	vm2 =	veq.f32 v22, $5.000000000e-01  }
0xa2: {  	v19 =	vand.u32 $0x1, v34;
	vm3 =	vgt.f32 v22, $5.000000000e-01;
	vm1 =	vmand vm2, vm1  }
0xa3: {  	vm13 =	veq.s32 v19, $0x1;
	vm4 =	veq.f32 v37, $5.000000000e-01;
	vm1 =	vmor vm3, vm1  }
0xa4: {  	vm14 =	vgt.f32 v37, $5.000000000e-01;
	vm2 =	vmand vm4, vm13;
	v39 =	vsel vm1, $0x1, v3  }
0xa5: {  	vm15 =	vlt.u32 v17, $0xE0;
	v38 =	vld.idx.msk [tilespmem:v25+s2+$0x0], $0xffff;
	vm2 =	vmor vm14, vm2;
	v17 =	vadd.s32 v39, v63  }
0xa6: {  	v49 =	vmov s28;
	v19 =	vld.idx.msk [tilespmem:v35+s2+$0x0], $0xffff;
	v40 =	vsel vm2, $0x1, v3;
	vm4 =	vgt.s32 v17, $0x0  }
0xa7: {  	v23 =	vadd.f32 v24, v23;
	v24 =	vadd.s32 v40, v34;
	v27 =	vnsel vm4, $0x0, v17  }
0xa8: {  	v14 =	vmul.f32 $1.120000000e+02, v14;
	vm5 =	vgt.s32 v24, $0x0;
	v27 =	vmin.u32 v27, $0xDF  }
0xa9: {  	v41 =	vld [tilespmem:s26+$0x0];
	s1 =	sadd.s32 $0x10, s23;
	vm0 =	vmand vm12, vm15;
	v44 =	vnsel vm5, $0x0, v24;
	v27 =	vmul.u32 $0x1C0, v27  }
0xaa: {  	v13 =	vmul.f32 $1.120000000e+02, v13;
	v43 =	vld [tilespmem:s1+$0x0];
	v42 =	vsel vm0, $0x3F800000, v4;
	v26 =	vmin.u32 v44, $0xDF  }
0xab: {  	v22 =	vmul.f32 v42, v38;
	v19 =	vmul.f32 v42, v19;
	v26 =	vadd.s32 v26, v27  }
0xac: {  	s30 =	sadd.s32 $0x10, s30;
	v60 =	vmov s24;
	v18 =	vmul.f32 v18, v8;
	v47 =	vadd.s32 $0xE0, v26  }
0xad: {  	v50 =	vld [tilespmem:s30+$0x0];
	v20 =	vmul.f32 v20, v8;
	v45 =	vand.u32 $0x7FFFFFFF, v22;
	v46 =	vand.u32 $0x7FFFFFFF, v19  }
0xae: {  	vm9 =	vlt.u32 v49, v12;
	v18 =	vadd.f32 v18, v10;
	v27 =	vadd.f32 v46, v45  }
0xaf: {  	vm15 =	vlt.u32 v60, v12;
	v20 =	vadd.f32 v20, v9;
	v25 =	vadd.f32 v43, v41  }
0xb0: {  	v18 =	vadd.f32 $1.000000000e+00, v18;
	vm6 =	vlt.f32 v27, $0.0e+00;
	vm7 =	vgt.f32 v27, $0.0e+00;
	v26 =	vld.idx.msk [tilespmem:v26+s2+$0x0], $0xffff  }
0xb1: {  	s29 =	sadd.s32 $0x10, s29;
	v20 =	vadd.f32 $1.000000000e+00, v20;
	vm8 =	vgt.f32 v25, $0.0e+00;
	vm0 =	vmor vm7, vm6;
	v51 =	vld.idx.msk [tilespmem:v47+s2+$0x0], $0xffff  }
0xb2: {  	s31 =	sadd.s32 $0x10, s26;
	v48 =	vld [tilespmem:s29+$0x0];
	v18 =	vmul.f32 $1.120000000e+02, v18;
	v25 =	vmul.f32 v50, v8;
	vm0 =	vmand vm8, vm0  }
0xb3: {  	v53 =	vld [tilespmem:s31+$0x0];
	s1 =	sadd.s32 $0x10, s1;
	vm10 =	vlt.u32 v24, $0xE0;
	vm11 =	vlt.u32 v17, $0xE0;
	vm0 =	vmand vm9, vm0  }
0xb4: {  	v54 =	vld [tilespmem:s1+$0x0];
	v20 =	vmul.f32 $1.120000000e+02, v20;
	v52 =	vnsel vm0, $0x0, v0;
	vm0 =	vmand vm10, vm11  }
0xb5: {  	v13 =	vsub.f32 v18, v13;
	v58 =	vadd.f32 v25, v9;
	v56 =	vsel vm0, $0x3F800000, v4  }
0xb6: {  	v14 =	vsub.f32 v20, v14;
	v18 =	vmul.f32 v56, v26;
	v57 =	vmul.f32 v56, v51  }
0xb7: {  	v55 =	vmul.f32 v48, v8;
	v24 =	vadd.f32 $1.000000000e+00, v58;
	v17 =	vmul.f32 v52, v22  }
0xb8: {  	v14 =	vmul.f32 v52, v14;
	v59 =	vand.u32 $0x7FFFFFFF, v18;
	v27 =	vand.u32 $0x7FFFFFFF, v57  }
0xb9: {  	v21 =	vmul.f32 $1.120000000e+02, v21;
	v22 =	vadd.f32 v54, v53;
	v25 =	vadd.f32 v27, v59  }
0xba: {  	v14 =	vsub.f32 v17, v14;
	v17 =	vmul.f32 v52, v19;
	v19 =	vadd.f32 v55, v10  }
0xbb: {  	v61 =	vmul.f32 $1.120000000e+02, v24;
	vm13 =	vlt.f32 v25, $0.0e+00;
	vm14 =	vgt.f32 v25, $0.0e+00  }
0xbc: {  	vm12 =	vgt.f32 v22, $0.0e+00;
	v19 =	vadd.f32 $1.000000000e+00, v19;
	vm1 =	vmor vm14, vm13  }
0xbd: {  	v62 =	vmul.f32 $1.120000000e+02, v16;
	v13 =	vmul.f32 v52, v13;
	vm0 =	vmand vm12, vm1  }
0xbe: {  	v16 =	vmul.f32 $1.120000000e+02, v19;
	v19 =	vsub.f32 v61, v21;
	vm0 =	vmand vm15, vm0  }
0xbf: {  	v14 =	vand.u32 $0x7FFFFFFF, v14;
	v13 =	vsub.f32 v17, v13;
	v17 =	vnsel vm0, $0x0, v0  }
0xc0: {  	v12 =	vsub.f32 v16, v62;
	v16 =	vmul.f32 v17, v18;
	v18 =	vmul.f32 v17, v19  }
0xc1: {  	v14 =	vadd.f32 v14, v23;
	v13 =	vand.u32 $0x7FFFFFFF, v13  }
0xc2: {  	v12 =	vmul.f32 v17, v12;
	v16 =	vsub.f32 v16, v18;
	v18 =	vmul.f32 v17, v57  }
.Ltmp1:
0xc3: {  	v11 =	vadd.f32 v15, v11;
	v13 =	vadd.f32 v14, v13;
	(pc) =	sbr.rel @p0 .LBB2_2-.Ltmp1, $4  }
0xc4: {  	v63 =	vand.u32 $0x7FFFFFFF, v16;
	v12 =	vsub.f32 v18, v12  }
0xc5: {  	v11 =	vadd.f32 v52, v11;
	v13 =	vadd.f32 v63, v13  }
0xc6: {  	v12 =	vand.u32 $0x7FFFFFFF, v12  }
0xc7: {  	s24 =	simm.s32 $0xD80;
	p1 =	por $0x0, $0x0;
	v11 =	vadd.f32 v17, v11;
	v16 =	vadd.f32 v13, v12  }
0xc8: {  	_ = 	snop  }
0xc9: {  	(xrf2) =	vadd.scan.msk.f32 $0xffff, v16  }
0xca: {  	(xrf2) =	vadd.scan.msk.f32 $0xffff, v11;
	_ =	sdelay $0x8  }
0xcb: {  	v5, _, _ =	vpop (xrf2)  }
0xcc: {  	v6, _, _ =	vpop (xrf2)  }
0xcd: {  	v6 =	vadd.f32 $1.000000000e+00, v6;
	_ =	sdelay $0x1  }
0xce: {  	v6 =	vbroadcast v6, $0xF;
	_ =	sdelay $0x1  }
0xcf: {  	(erf) = vrcp.f32 v6;
	_ =	sdelay $0x5  }
0xd0: {  	v5 =	vbroadcast v5, $0xF;
	_ =	sdelay $0x1  }
0xd1: {  	v5 =	vmul.f32 v5, v1  }
0xd2: {  	v6 =	vpop (erf)  }
0xd3: {  	s22 =	sadd.s32 $0x1, s22;
	v5 =	vmul.f32 v6, v5  }
0xd4: {  	p0 =	sne.s32 s22, s15  }
.Ltmp2:
0xd5: {  	[tilespmem:$0x1DA00] =	vst v5;
	(pc) =	sbr.rel @p0 .LBB2_1-.Ltmp2, $4  }
0xd6: {  	[hbm4b:s14+s2] =	stream.linear.scatter [tilespmem:s21], [sflag:$0x1], $0x80, $0x38;
	[tilespmem:$0x1DA80] =	vst v63  }
0xd7: {  	_ =	swait.ge [sflag:s16], $0x80  }
0xd8: {  	[sflag:s16] =	ssyncset.done $0x0  }
0xd9: {  	[sflag:s16] =	ssyncadd.s32 $0xFFFFFF80  }
0xda: {  	_ =	sfence.sel $0x180000  }
0xdb: {  	[bflag:$0x0] =	sbarrier.arrive $0xFFFF  }
0xdc: {  	_ =	strace $0x9000004A  }
0xdd: {  	[bflag:$0x2] =	sbarrier.arrive $0xFFFF  }
0xde: {  	p0 =	sne.s32 s0, $0x0;
	s0 =	rddreg [dreg:$0x1]  }
0xdf: {  	s0 =	sadd.s32 @!p0 $0x100000, s0  }
0xe0: {  	[sflag:s0] =	ssyncadd.tile.s32 @!p0 $0x1;
	_ =	shalt  }
.Lfunc_end2:
_tile_overlayer_lowered:
.L_overlay_start_2:
0xe1: {  	(tag) =	ssettag $0x2  }
0xe2: {  	s0 =	rddreg [dreg:$0x0];
	s2 =	stileid.u32  }
0xe3: {  	s1 =	rddreg [dreg:$0x1];
	p0 =	sne.s32 s2, $0x0  }
0xe4: {  	s3 =	rddreg [dreg:$0x2];
	[bflag:$0x3] =	sbarrier.arrive $0xFFFF;
	s2 =	simm.s32 @!p0 $0x1C01  }
0xe5: {  	[timem:s3], [sflag:s2] =	dma.local @!p0 [hbm:s0], s1  }
0xe6: {  	s0 =	simm.s32 @!p0 $0x1  }
0xe7: {  	_ =	swait.ge @!p0 [sflag:s0], s1  }
0xe8: {  	s1 =	ssub.s32 @!p0 $0x0, s1;
	[sflag:s0] =	ssyncset.done @!p0 $0x0  }
0xe9: {  	[sflag:s0] =	ssyncadd.s32 @!p0 s1  }
0xea: {  	[bflag:$0x3] =	sbarrier.arrive $0xFFFF  }
0xeb: {  	_ =	shalt  }

</sc_bundles>
